<compile_context>
chip_gen: v7x
topology: tpu7x:2x2x1
jax: 0.10.2.dev20260603
libtpu: 0.0.44.dev20260713+nightly
codegen_flags: <defaults>
</compile_context>

<pallas_src>
import jax
import jax.numpy as jnp
from jax import lax
from jax.experimental import pallas as pl
from jax.experimental.pallas import tpu as pltpu
from jax.experimental.pallas import tpu_sc as plsc

N = 10000
D = 128
DOUT = 40
NPAD = 10112
CH = 128
NC = 2
NS = 16
NW = NC * NS
RPT = NPAD // NS

_MESH = plsc.VectorSubcoreMesh(
    core_axis_name="c", subcore_axis_name="s", num_cores=NC, num_subcores=NS)


def _deg_body(dstm, ones, zeros, out, didx0_v, didx1_v, ones_v, acc_sh):
    c = lax.axis_index("c")
    s = lax.axis_index("s")
    w = s * NC + c
    half = dstm.shape[1] // NW
    rows = pl.ds(s * RPT, RPT)
    pltpu.sync_copy(zeros.at[rows], acc_sh.at[rows])
    pltpu.sync_copy(ones, ones_v)
    pltpu.sync_copy(dstm.at[0, pl.ds(w * half, half), :], didx0_v)
    pltpu.sync_copy(dstm.at[1, pl.ds(w * half, half), :], didx1_v)
    plsc.subcore_barrier()

    for didx_v in (didx0_v, didx1_v):
        def step(j, carry, didx_v=didx_v):
            pltpu.sync_copy(ones_v, acc_sh.at[didx_v.at[j]], add=True)
            return carry

        lax.fori_loop(0, half, step, 0)
    plsc.subcore_barrier()
    pltpu.sync_copy(acc_sh.at[rows], out.at[c, rows, :])


def _agg_body(srcm, dstm, hs, zeros, out, sidx_v, didx0_v, didx1_v,
              rows0_v, rows1_v, acc_sh, gsem0, gsem1):
    c = lax.axis_index("c")
    s = lax.axis_index("s")
    w = s * NC + c
    half = srcm.shape[1] // NW
    rows = pl.ds(s * RPT, RPT)
    pltpu.sync_copy(zeros.at[rows], acc_sh.at[rows])
    pltpu.sync_copy(dstm.at[0, pl.ds(w * half, half), :], didx0_v)
    pltpu.sync_copy(dstm.at[1, pl.ds(w * half, half), :], didx1_v)
    pltpu.sync_copy(srcm.at[0, pl.ds(w * half, half), :], sidx_v)
    plsc.subcore_barrier()

    for h, didx_v in ((0, didx0_v), (1, didx1_v)):
        if h == 1:
            pltpu.sync_copy(srcm.at[1, pl.ds(w * half, half), :], sidx_v)
        pltpu.async_copy(hs.at[sidx_v.at[0]], rows0_v, gsem0)

        def step(j2, carry, didx_v=didx_v):
            j = 2 * j2
            pltpu.make_async_copy(hs.at[sidx_v.at[j]], rows0_v, gsem0).wait()
            pltpu.async_copy(hs.at[sidx_v.at[j + 1]], rows1_v, gsem1)
            pltpu.sync_copy(rows0_v, acc_sh.at[didx_v.at[j]], add=True)
            jn = jnp.minimum(j + 2, half - 1)
            pltpu.make_async_copy(hs.at[sidx_v.at[j + 1]], rows1_v, gsem1).wait()
            pltpu.async_copy(hs.at[sidx_v.at[jn]], rows0_v, gsem0)
            pltpu.sync_copy(rows1_v, acc_sh.at[didx_v.at[j + 1]], add=True)
            return carry

        lax.fori_loop(0, half // 2, step, 0)
        pltpu.make_async_copy(hs.at[sidx_v.at[half - 1]], rows0_v, gsem0).wait()
    plsc.subcore_barrier()
    pltpu.sync_copy(acc_sh.at[rows], out.at[c, rows, :])


def _tc1_body(x_ref, w1_ref, degp_ref, hs_ref, dinv_ref):
    deg = degp_ref[0, :, 0:16] + degp_ref[1, :, 0:16] + 1.0
    dinv = lax.rsqrt(deg)
    dinv_ref[...] = dinv
    h = jnp.dot(x_ref[...], w1_ref[...], preferred_element_type=jnp.float32)
    hs_ref[...] = h * dinv[:N, 0:1]


def _bn_relu(conv, g, bt):
    mu = jnp.mean(conv, axis=0, keepdims=True)
    xc = conv - mu
    var = jnp.mean(xc * xc, axis=0, keepdims=True)
    return jnp.maximum(xc * lax.rsqrt(var + 1e-5) * g + bt, 0.0)


def _tc2_body(agg_ref, hs_ref, dinvp_ref, b1_ref, g1_ref, bt1_ref, w2_ref,
              hs2_ref):
    dcol = dinvp_ref[:, 0:1][:N]
    a = agg_ref[0, :N, :] + agg_ref[1, :N, :]
    conv = (a + hs_ref[...]) * dcol + b1_ref[...]
    h = _bn_relu(conv, g1_ref[...], bt1_ref[...])
    hs2_ref[...] = jnp.dot(
        h, w2_ref[...], preferred_element_type=jnp.float32) * dcol


def _tc3_body(agg_ref, hs2_ref, dinvp_ref, b2_ref, g2_ref, bt2_ref,
              g3_ref, bt3_ref, wm_ref, bm_ref, out_ref):
    dcol = dinvp_ref[:, 0:1][:N]
    a = agg_ref[0, :N, :] + agg_ref[1, :N, :]
    conv = (a + hs2_ref[...]) * dcol + b2_ref[...]
    h = _bn_relu(conv, g2_ref[...], bt2_ref[...])
    mu = jnp.mean(h, axis=0, keepdims=True)
    xc = h - mu
    var = jnp.mean(xc * xc, axis=0, keepdims=True)
    h = xc * lax.rsqrt(var + 1e-5) * g3_ref[...] + bt3_ref[...]
    logits = jnp.dot(h, wm_ref[...], preferred_element_type=jnp.float32)
    logits = logits + bm_ref[...]
    m = jnp.max(logits, axis=1, keepdims=True)
    lse = m + jnp.log(jnp.sum(jnp.exp(logits - m), axis=1, keepdims=True))
    out_ref[...] = logits - lse


def _make_sc_kernels(perw):
    deg = pl.kernel(
        _deg_body,
        out_type=jax.ShapeDtypeStruct((NC, NPAD, D), jnp.float32),
        mesh=_MESH,
        scratch_types=[
            pltpu.VMEM((perw // 2, CH), jnp.int32),
            pltpu.VMEM((perw // 2, CH), jnp.int32),
            pltpu.VMEM((CH, D), jnp.float32),
            pltpu.VMEM_SHARED((NPAD, D), jnp.float32),
        ],
    )
    agg = pl.kernel(
        _agg_body,
        out_type=jax.ShapeDtypeStruct((NC, NPAD, D), jnp.float32),
        mesh=_MESH,
        scratch_types=[
            pltpu.VMEM((perw // 2, CH), jnp.int32),
            pltpu.VMEM((perw // 2, CH), jnp.int32),
            pltpu.VMEM((perw // 2, CH), jnp.int32),
            pltpu.VMEM((CH, D), jnp.float32),
            pltpu.VMEM((CH, D), jnp.float32),
            pltpu.VMEM_SHARED((NPAD, D), jnp.float32),
            pltpu.SemaphoreType.DMA,
            pltpu.SemaphoreType.DMA,
        ],
    )
    return deg, agg


def kernel(x, edge_index, W1, b1, W2, b2, g1, bt1, g2, bt2, g3, bt3, Wm, bm):
    src = edge_index[0]
    dst = edge_index[1]
    E = src.shape[0]
    nchunks = -(-E // CH)
    perw = -(-nchunks // NW)
    perw = -(-perw // 8) * 8
    tot = perw * NW * CH
    pad = tot - E
    ar = lax.iota(jnp.int32, pad)
    half = perw // 2

    def _lay(a):
        return (a.reshape(NW, 2, half, CH).transpose(1, 0, 2, 3)
                .reshape(2, NW * half, CH))

    srcm = _lay(jnp.concatenate([src, ar % N]).reshape(perw * NW, CH))
    dstm = _lay(jnp.concatenate(
        [dst, N + ar % (NPAD - N)]).reshape(perw * NW, CH))
    ones = jnp.ones((CH, D), jnp.float32)
    zerosD = jnp.zeros((NPAD, D), jnp.float32)
    b1r, b2r = b1.reshape(1, D), b2.reshape(1, D)
    g1r, g2r, g3r = g1.reshape(1, D), g2.reshape(1, D), g3.reshape(1, D)
    bt1r, bt2r, bt3r = bt1.reshape(1, D), bt2.reshape(1, D), bt3.reshape(1, D)
    bmr = bm.reshape(1, DOUT)

    sc_deg, sc_agg = _make_sc_kernels(perw)

    degp = sc_deg(dstm, ones, zerosD)

    hs1, dinvp = pl.pallas_call(
        _tc1_body,
        out_shape=[
            jax.ShapeDtypeStruct((N, D), jnp.float32),
            jax.ShapeDtypeStruct((NPAD, 16), jnp.float32),
        ],
    )(x, W1, degp)

    a1 = sc_agg(srcm, dstm, hs1, zerosD)

    hs2 = pl.pallas_call(
        _tc2_body,
        out_shape=jax.ShapeDtypeStruct((N, D), jnp.float32),
    )(a1, hs1, dinvp, b1r, g1r, bt1r, W2)

    a2 = sc_agg(srcm, dstm, hs2, zerosD)

    out = pl.pallas_call(
        _tc3_body,
        out_shape=jax.ShapeDtypeStruct((N, DOUT), jnp.float32),
    )(a2, hs2, dinvp, b2r, g2r, bt2r, g3r, bt3r, Wm, bmr)

    return out

# --- scband reference (transcript-rebuilt; emitter-appended) ---
"""Pipeline reference for scband-node-model-84756884620023 (READ-ONLY COPY).

The authoritative reference and input builder live on the scoring server;
editing this copy changes nothing except your own understanding.
"""

import jax, jax.numpy as jnp
import numpy as np

N_NODES = 10000
N_EDGES = 320000
D_IN = 128
D_HID = 128
D_OUT = 40


def gcn_conv(x, edge_index, W, b):
    n = x.shape[0]
    src = edge_index[0]
    dst = edge_index[1]
    loop = jnp.arange(n, dtype=src.dtype)
    src = jnp.concatenate([src, loop])
    dst = jnp.concatenate([dst, loop])
    # symmetric normalization with self-loops (PyG GCNConv default)
    deg = jax.ops.segment_sum(jnp.ones(src.shape[0], dtype=x.dtype), dst, num_segments=n)
    dinv = jnp.where(deg > 0, deg ** -0.5, 0.0)
    norm = dinv[src] * dinv[dst]
    h = x @ W
    msg = h[src] * norm[:, None]
    out = jax.ops.segment_sum(msg, dst, num_segments=n)
    return out + b


def batchnorm1d(x, gamma, beta, eps=1e-5):
    mu = jnp.mean(x, axis=0)
    var = jnp.var(x, axis=0)
    return (x - mu) / jnp.sqrt(var + eps) * gamma + beta


def setup_inputs(seed: int = 0) -> dict:
    key = jax.random.key(seed)
    ks = jax.random.split(key, 8)
    x = jax.random.normal(ks[0], (N_NODES, D_IN), dtype=jnp.float32)
    edge_index = jax.random.randint(ks[1], (2, N_EDGES), 0, N_NODES, dtype=jnp.int32)
    W1 = jax.random.normal(ks[2], (D_IN, D_HID), dtype=jnp.float32) * (1.0 / np.sqrt(D_IN))
    b1 = jnp.zeros((D_HID,), dtype=jnp.float32)
    W2 = jax.random.normal(ks[3], (D_HID, D_HID), dtype=jnp.float32) * (1.0 / np.sqrt(D_HID))
    b2 = jnp.zeros((D_HID,), dtype=jnp.float32)
    g1 = jnp.ones((D_HID,), dtype=jnp.float32)
    bt1 = jnp.zeros((D_HID,), dtype=jnp.float32)
    g2 = jnp.ones((D_HID,), dtype=jnp.float32)
    bt2 = jnp.zeros((D_HID,), dtype=jnp.float32)
    g3 = jnp.ones((D_HID,), dtype=jnp.float32)
    bt3 = jnp.zeros((D_HID,), dtype=jnp.float32)
    Wm = jax.random.normal(ks[4], (D_HID, D_OUT), dtype=jnp.float32) * (1.0 / np.sqrt(D_HID))
    bm = jnp.zeros((D_OUT,), dtype=jnp.float32)
    return {"x": x, "edge_index": edge_index, "W1": W1, "b1": b1, "W2": W2, "b2": b2,
            "g1": g1, "bt1": bt1, "g2": g2, "bt2": bt2, "g3": g3, "bt3": bt3,
            "Wm": Wm, "bm": bm}


def reference(x, edge_index, W1, b1, W2, b2, g1, bt1, g2, bt2, g3, bt3, Wm, bm):
    # layer 0: conv -> bn -> relu -> (dropout: identity in eval / deterministic ref)
    h = gcn_conv(x, edge_index, W1, b1)
    h = batchnorm1d(h, g1, bt1)
    h = jax.nn.relu(h)
    # layer 1: conv -> bn -> relu
    h = gcn_conv(h, edge_index, W2, b2)
    h = batchnorm1d(h, g2, bt2)
    h = jax.nn.relu(h)
    # final norm (norms[-1]) then linear head
    h = batchnorm1d(h, g3, bt3)
    h = h @ Wm + bm
    return jax.nn.log_softmax(h, axis=1)

if __name__ == "__main__":
    import jax
    _d = setup_inputs()
    print(jax.jit(kernel)(*tuple(_d.values())))

</pallas_src>

<mosaic_0001>
#map = affine_map<(d0, d1) -> (0, 0, 0)>
#map1 = affine_map<(d0, d1) -> (0, 0)>
module attributes {stable_mosaic.version = 14 : i64} {
  func.func @_agg_body(%arg0: i32, %arg1: i32, %arg2: memref<2x1280x128xi32, #tpu.memory_space<hbm>>, %arg3: memref<2x1280x128xi32, #tpu.memory_space<hbm>>, %arg4: memref<10000x128xf32, #tpu.memory_space<hbm>>, %arg5: memref<10112x128xf32, #tpu.memory_space<hbm>>, %arg6: memref<2x10112x128xf32, #tpu.memory_space<hbm>>, %arg7: memref<40x128xi32, #tpu.memory_space<vmem>>, %arg8: memref<40x128xi32, #tpu.memory_space<vmem>>, %arg9: memref<40x128xi32, #tpu.memory_space<vmem>>, %arg10: memref<128x128xf32, #tpu.memory_space<vmem>>, %arg11: memref<128x128xf32, #tpu.memory_space<vmem>>, %arg12: memref<10112x128xf32, #tpu.memory_space<vmem_shared>>, %arg13: memref<!tpu.dma_semaphore, #tpu.memory_space<semaphore_mem>>, %arg14: memref<!tpu.dma_semaphore, #tpu.memory_space<semaphore_mem>>) attributes {dimension_semantics = [#tpu.dimension_semantics<core_parallel>, #tpu.dimension_semantics<subcore_parallel>], iteration_bounds = array<i64: 2, 16>, scalar_prefetch = 0 : i64, scratch_operands = 8 : i64, tpu.core_type = #tpu.core_type<sc_vector_subcore>, window_params = [{transform_indices = #map}, {transform_indices = #map}, {transform_indices = #map1}, {transform_indices = #map1}, {transform_indices = #map}]} {
    %mul3A = arith.constant 2 : i32
    %mul3A_0 = arith.muli %arg1, %mul3A : i32
    %add3A = arith.addi %mul3A_0, %arg0 : i32
    %mul3A_1 = arith.constant 632 : i32
    %mul3A_2 = arith.muli %arg1, %mul3A_1 : i32
    "tpu.region"() ({
      %run_scoped3A_52 = tpu.sem_alloc : memref<!tpu.dma_semaphore, #tpu.memory_space<semaphore_mem>>
      %dma_start3A_53 = arith.constant 0 : i32
      %dma_start3A_54 = tpu.memref_slice %arg12[%mul3A_2, %dma_start3A_53] : memref<10112x128xf32, #tpu.memory_space<vmem_shared>> -> memref<632x128xf32, #tpu.memory_space<vmem_shared>>
      %dma_start3A_55 = arith.constant 0 : i32
      %dma_start3A_56 = tpu.memref_slice %arg5[%mul3A_2, %dma_start3A_55] : memref<10112x128xf32, #tpu.memory_space<hbm>> -> memref<632x128xf32, #tpu.memory_space<hbm>>
      tpu.enqueue_dma source(%dma_start3A_56 : memref<632x128xf32, #tpu.memory_space<hbm>>) target(%dma_start3A_54 : memref<632x128xf32, #tpu.memory_space<vmem_shared>>) target_semaphore(%run_scoped3A_52 : memref<!tpu.dma_semaphore, #tpu.memory_space<semaphore_mem>>)
      %dma_wait3A_57 = arith.constant 0 : i32
      %dma_wait3A_58 = tpu.memref_slice %arg12[%mul3A_2, %dma_wait3A_57] : memref<10112x128xf32, #tpu.memory_space<vmem_shared>> -> memref<632x128xf32, #tpu.memory_space<vmem_shared>>
      %dma_wait3A_59 = arith.constant 0 : i32
      %dma_wait3A_60 = tpu.memref_slice %arg5[%mul3A_2, %dma_wait3A_59] : memref<10112x128xf32, #tpu.memory_space<hbm>> -> memref<632x128xf32, #tpu.memory_space<hbm>>
      tpu.wait_dma2 semaphore(%run_scoped3A_52 : memref<!tpu.dma_semaphore, #tpu.memory_space<semaphore_mem>>) src(%dma_wait3A_60 : memref<632x128xf32, #tpu.memory_space<hbm>>) dst(%dma_wait3A_58 : memref<632x128xf32, #tpu.memory_space<vmem_shared>>)
      tpu.yield
    }) : () -> ()
    %mul3A_3 = arith.constant 40 : i32
    %mul3A_4 = arith.muli %add3A, %mul3A_3 : i32
    %run_scoped3A = arith.constant 0 : i32
    "tpu.region"() ({
      %run_scoped3A_52 = tpu.sem_alloc : memref<!tpu.dma_semaphore, #tpu.memory_space<semaphore_mem>>
      %dma_start3A_53 = arith.constant 0 : i32
      %dma_start3A_54 = tpu.memref_slice %arg3[%run_scoped3A, %mul3A_4, %dma_start3A_53] : memref<2x1280x128xi32, #tpu.memory_space<hbm>> -> memref<1x40x128xi32, #tpu.memory_space<hbm>>
      %dma_start3A_55 = tpu.memref_squeeze %dma_start3A_54 : memref<1x40x128xi32, #tpu.memory_space<hbm>> -> memref<40x128xi32, #tpu.memory_space<hbm>>
      %dma_start3A_56 = arith.constant 0 : i32
      %dma_start3A_57 = tpu.memref_slice %arg3[%run_scoped3A, %mul3A_4, %dma_start3A_56] : memref<2x1280x128xi32, #tpu.memory_space<hbm>> -> memref<1x40x128xi32, #tpu.memory_space<hbm>>
      %dma_start3A_58 = tpu.memref_squeeze %dma_start3A_57 : memref<1x40x128xi32, #tpu.memory_space<hbm>> -> memref<40x128xi32, #tpu.memory_space<hbm>>
      tpu.enqueue_dma source(%dma_start3A_58 : memref<40x128xi32, #tpu.memory_space<hbm>>) target(%arg8 : memref<40x128xi32, #tpu.memory_space<vmem>>) target_semaphore(%run_scoped3A_52 : memref<!tpu.dma_semaphore, #tpu.memory_space<semaphore_mem>>)
      %dma_wait3A_59 = arith.constant 0 : i32
      %dma_wait3A_60 = tpu.memref_slice %arg3[%run_scoped3A, %mul3A_4, %dma_wait3A_59] : memref<2x1280x128xi32, #tpu.memory_space<hbm>> -> memref<1x40x128xi32, #tpu.memory_space<hbm>>
      %dma_wait3A_61 = tpu.memref_squeeze %dma_wait3A_60 : memref<1x40x128xi32, #tpu.memory_space<hbm>> -> memref<40x128xi32, #tpu.memory_space<hbm>>
      %dma_wait3A_62 = arith.constant 0 : i32
      %dma_wait3A_63 = tpu.memref_slice %arg3[%run_scoped3A, %mul3A_4, %dma_wait3A_62] : memref<2x1280x128xi32, #tpu.memory_space<hbm>> -> memref<1x40x128xi32, #tpu.memory_space<hbm>>
      %dma_wait3A_64 = tpu.memref_squeeze %dma_wait3A_63 : memref<1x40x128xi32, #tpu.memory_space<hbm>> -> memref<40x128xi32, #tpu.memory_space<hbm>>
      tpu.wait_dma2 semaphore(%run_scoped3A_52 : memref<!tpu.dma_semaphore, #tpu.memory_space<semaphore_mem>>) src(%dma_wait3A_64 : memref<40x128xi32, #tpu.memory_space<hbm>>) dst(%arg8 : memref<40x128xi32, #tpu.memory_space<vmem>>)
      tpu.yield
    }) : () -> ()
    %mul3A_5 = arith.constant 40 : i32
    %mul3A_6 = arith.muli %add3A, %mul3A_5 : i32
    %run_scoped3A_7 = arith.constant 1 : i32
    "tpu.region"() ({
      %run_scoped3A_52 = tpu.sem_alloc : memref<!tpu.dma_semaphore, #tpu.memory_space<semaphore_mem>>
      %dma_start3A_53 = arith.constant 0 : i32
      %dma_start3A_54 = tpu.memref_slice %arg3[%run_scoped3A_7, %mul3A_6, %dma_start3A_53] : memref<2x1280x128xi32, #tpu.memory_space<hbm>> -> memref<1x40x128xi32, #tpu.memory_space<hbm>>
      %dma_start3A_55 = tpu.memref_squeeze %dma_start3A_54 : memref<1x40x128xi32, #tpu.memory_space<hbm>> -> memref<40x128xi32, #tpu.memory_space<hbm>>
      %dma_start3A_56 = arith.constant 0 : i32
      %dma_start3A_57 = tpu.memref_slice %arg3[%run_scoped3A_7, %mul3A_6, %dma_start3A_56] : memref<2x1280x128xi32, #tpu.memory_space<hbm>> -> memref<1x40x128xi32, #tpu.memory_space<hbm>>
      %dma_start3A_58 = tpu.memref_squeeze %dma_start3A_57 : memref<1x40x128xi32, #tpu.memory_space<hbm>> -> memref<40x128xi32, #tpu.memory_space<hbm>>
      tpu.enqueue_dma source(%dma_start3A_58 : memref<40x128xi32, #tpu.memory_space<hbm>>) target(%arg9 : memref<40x128xi32, #tpu.memory_space<vmem>>) target_semaphore(%run_scoped3A_52 : memref<!tpu.dma_semaphore, #tpu.memory_space<semaphore_mem>>)
      %dma_wait3A_59 = arith.constant 0 : i32
      %dma_wait3A_60 = tpu.memref_slice %arg3[%run_scoped3A_7, %mul3A_6, %dma_wait3A_59] : memref<2x1280x128xi32, #tpu.memory_space<hbm>> -> memref<1x40x128xi32, #tpu.memory_space<hbm>>
      %dma_wait3A_61 = tpu.memref_squeeze %dma_wait3A_60 : memref<1x40x128xi32, #tpu.memory_space<hbm>> -> memref<40x128xi32, #tpu.memory_space<hbm>>
      %dma_wait3A_62 = arith.constant 0 : i32
      %dma_wait3A_63 = tpu.memref_slice %arg3[%run_scoped3A_7, %mul3A_6, %dma_wait3A_62] : memref<2x1280x128xi32, #tpu.memory_space<hbm>> -> memref<1x40x128xi32, #tpu.memory_space<hbm>>
      %dma_wait3A_64 = tpu.memref_squeeze %dma_wait3A_63 : memref<1x40x128xi32, #tpu.memory_space<hbm>> -> memref<40x128xi32, #tpu.memory_space<hbm>>
      tpu.wait_dma2 semaphore(%run_scoped3A_52 : memref<!tpu.dma_semaphore, #tpu.memory_space<semaphore_mem>>) src(%dma_wait3A_64 : memref<40x128xi32, #tpu.memory_space<hbm>>) dst(%arg9 : memref<40x128xi32, #tpu.memory_space<vmem>>)
      tpu.yield
    }) : () -> ()
    %mul3A_8 = arith.constant 40 : i32
    %mul3A_9 = arith.muli %add3A, %mul3A_8 : i32
    %run_scoped3A_10 = arith.constant 0 : i32
    "tpu.region"() ({
      %run_scoped3A_52 = tpu.sem_alloc : memref<!tpu.dma_semaphore, #tpu.memory_space<semaphore_mem>>
      %dma_start3A_53 = arith.constant 0 : i32
      %dma_start3A_54 = tpu.memref_slice %arg2[%run_scoped3A_10, %mul3A_9, %dma_start3A_53] : memref<2x1280x128xi32, #tpu.memory_space<hbm>> -> memref<1x40x128xi32, #tpu.memory_space<hbm>>
      %dma_start3A_55 = tpu.memref_squeeze %dma_start3A_54 : memref<1x40x128xi32, #tpu.memory_space<hbm>> -> memref<40x128xi32, #tpu.memory_space<hbm>>
      %dma_start3A_56 = arith.constant 0 : i32
      %dma_start3A_57 = tpu.memref_slice %arg2[%run_scoped3A_10, %mul3A_9, %dma_start3A_56] : memref<2x1280x128xi32, #tpu.memory_space<hbm>> -> memref<1x40x128xi32, #tpu.memory_space<hbm>>
      %dma_start3A_58 = tpu.memref_squeeze %dma_start3A_57 : memref<1x40x128xi32, #tpu.memory_space<hbm>> -> memref<40x128xi32, #tpu.memory_space<hbm>>
      tpu.enqueue_dma source(%dma_start3A_58 : memref<40x128xi32, #tpu.memory_space<hbm>>) target(%arg7 : memref<40x128xi32, #tpu.memory_space<vmem>>) target_semaphore(%run_scoped3A_52 : memref<!tpu.dma_semaphore, #tpu.memory_space<semaphore_mem>>)
      %dma_wait3A_59 = arith.constant 0 : i32
      %dma_wait3A_60 = tpu.memref_slice %arg2[%run_scoped3A_10, %mul3A_9, %dma_wait3A_59] : memref<2x1280x128xi32, #tpu.memory_space<hbm>> -> memref<1x40x128xi32, #tpu.memory_space<hbm>>
      %dma_wait3A_61 = tpu.memref_squeeze %dma_wait3A_60 : memref<1x40x128xi32, #tpu.memory_space<hbm>> -> memref<40x128xi32, #tpu.memory_space<hbm>>
      %dma_wait3A_62 = arith.constant 0 : i32
      %dma_wait3A_63 = tpu.memref_slice %arg2[%run_scoped3A_10, %mul3A_9, %dma_wait3A_62] : memref<2x1280x128xi32, #tpu.memory_space<hbm>> -> memref<1x40x128xi32, #tpu.memory_space<hbm>>
      %dma_wait3A_64 = tpu.memref_squeeze %dma_wait3A_63 : memref<1x40x128xi32, #tpu.memory_space<hbm>> -> memref<40x128xi32, #tpu.memory_space<hbm>>
      tpu.wait_dma2 semaphore(%run_scoped3A_52 : memref<!tpu.dma_semaphore, #tpu.memory_space<semaphore_mem>>) src(%dma_wait3A_64 : memref<40x128xi32, #tpu.memory_space<hbm>>) dst(%arg7 : memref<40x128xi32, #tpu.memory_space<vmem>>)
      tpu.yield
    }) : () -> ()
    %barrier3A = arith.constant 0 : index
    tpu.barrier barrier_id(%barrier3A)
    %dma_start3A = arith.constant 0 : i32
    %dma_start3A_11 = arith.constant 0 : i32
    %dma_start3A_12 = tpu.memref_slice %arg7[%dma_start3A, %dma_start3A_11] : memref<40x128xi32, #tpu.memory_space<vmem>> -> memref<1x128xi32, #tpu.memory_space<vmem>>
    %dma_start3A_13 = tpu.memref_squeeze %dma_start3A_12 : memref<1x128xi32, #tpu.memory_space<vmem>> -> memref<128xi32, #tpu.memory_space<vmem>>
    %dma_start3A_14 = arith.constant 0 : i32
    %dma_start3A_15 = arith.constant 0 : i32
    %dma_start3A_16 = tpu.memref_slice %arg4[%dma_start3A_14, %dma_start3A_15] : memref<10000x128xf32, #tpu.memory_space<hbm>> -> memref<10000x128xf32, #tpu.memory_space<hbm>>
    tpu.enqueue_indirect_dma source(%dma_start3A_16 : memref<10000x128xf32, #tpu.memory_space<hbm>>) target(%arg10 : memref<128x128xf32, #tpu.memory_space<vmem>>) offsets(%dma_start3A_13 : memref<128xi32, #tpu.memory_space<vmem>>) semaphore(%arg13 : memref<!tpu.dma_semaphore, #tpu.memory_space<semaphore_mem>>)
    %scan3A = arith.constant 0 : i32
    %scan3A_17 = arith.constant 0 : i32
    %scan3A_18 = arith.constant 20 : i32
    %scan3A_19 = arith.addi %scan3A_17, %scan3A_18 : i32
    %scan3A_20 = arith.constant 1 : i32
    scf.for %scan3A_52 = %scan3A_17 to %scan3A_19 step %scan3A_20  : i32 {
      %mul3A_53 = arith.constant 2 : i32
      %mul3A_54 = arith.muli %mul3A_53, %scan3A_52 : i32
      %dma_wait3A_55 = arith.constant 0 : i32
      %dma_wait3A_56 = tpu.memref_slice %arg7[%mul3A_54, %dma_wait3A_55] : memref<40x128xi32, #tpu.memory_space<vmem>> -> memref<1x128xi32, #tpu.memory_space<vmem>>
      %dma_wait3A_57 = tpu.memref_squeeze %dma_wait3A_56 : memref<1x128xi32, #tpu.memory_space<vmem>> -> memref<128xi32, #tpu.memory_space<vmem>>
      %dma_wait3A_58 = arith.constant 0 : i32
      %dma_wait3A_59 = arith.constant 0 : i32
      %dma_wait3A_60 = tpu.memref_slice %arg4[%dma_wait3A_58, %dma_wait3A_59] : memref<10000x128xf32, #tpu.memory_space<hbm>> -> memref<10000x128xf32, #tpu.memory_space<hbm>>
      tpu.wait_indirect_dma semaphore(%arg13 : memref<!tpu.dma_semaphore, #tpu.memory_space<semaphore_mem>>) src(%dma_wait3A_60 : memref<10000x128xf32, #tpu.memory_space<hbm>>) dst(%arg10 : memref<128x128xf32, #tpu.memory_space<vmem>>)
      %add3A_61 = arith.constant 1 : i32
      %add3A_62 = arith.addi %mul3A_54, %add3A_61 : i32
      %dma_start3A_63 = arith.constant 0 : i32
      %dma_start3A_64 = tpu.memref_slice %arg7[%add3A_62, %dma_start3A_63] : memref<40x128xi32, #tpu.memory_space<vmem>> -> memref<1x128xi32, #tpu.memory_space<vmem>>
      %dma_start3A_65 = tpu.memref_squeeze %dma_start3A_64 : memref<1x128xi32, #tpu.memory_space<vmem>> -> memref<128xi32, #tpu.memory_space<vmem>>
      %dma_start3A_66 = arith.constant 0 : i32
      %dma_start3A_67 = arith.constant 0 : i32
      %dma_start3A_68 = tpu.memref_slice %arg4[%dma_start3A_66, %dma_start3A_67] : memref<10000x128xf32, #tpu.memory_space<hbm>> -> memref<10000x128xf32, #tpu.memory_space<hbm>>
      tpu.enqueue_indirect_dma source(%dma_start3A_68 : memref<10000x128xf32, #tpu.memory_space<hbm>>) target(%arg11 : memref<128x128xf32, #tpu.memory_space<vmem>>) offsets(%dma_start3A_65 : memref<128xi32, #tpu.memory_space<vmem>>) semaphore(%arg14 : memref<!tpu.dma_semaphore, #tpu.memory_space<semaphore_mem>>)
      "tpu.region"() ({
        %run_scoped3A_88 = tpu.sem_alloc : memref<!tpu.dma_semaphore, #tpu.memory_space<semaphore_mem>>
        %dma_start3A_89 = arith.constant 0 : i32
        %dma_start3A_90 = tpu.memref_slice %arg8[%mul3A_54, %dma_start3A_89] : memref<40x128xi32, #tpu.memory_space<vmem>> -> memref<1x128xi32, #tpu.memory_space<vmem>>
        %dma_start3A_91 = tpu.memref_squeeze %dma_start3A_90 : memref<1x128xi32, #tpu.memory_space<vmem>> -> memref<128xi32, #tpu.memory_space<vmem>>
        %dma_start3A_92 = arith.constant 0 : i32
        %dma_start3A_93 = arith.constant 0 : i32
        %dma_start3A_94 = tpu.memref_slice %arg12[%dma_start3A_92, %dma_start3A_93] : memref<10112x128xf32, #tpu.memory_space<vmem_shared>> -> memref<10112x128xf32, #tpu.memory_space<vmem_shared>>
        tpu.enqueue_indirect_dma source(%arg10 : memref<128x128xf32, #tpu.memory_space<vmem>>) target(%dma_start3A_94 : memref<10112x128xf32, #tpu.memory_space<vmem_shared>>) offsets(%dma_start3A_91 : memref<128xi32, #tpu.memory_space<vmem>>) semaphore(%run_scoped3A_88 : memref<!tpu.dma_semaphore, #tpu.memory_space<semaphore_mem>>) {add = true}
        %dma_wait3A_95 = arith.constant 0 : i32
        %dma_wait3A_96 = tpu.memref_slice %arg8[%mul3A_54, %dma_wait3A_95] : memref<40x128xi32, #tpu.memory_space<vmem>> -> memref<1x128xi32, #tpu.memory_space<vmem>>
        %dma_wait3A_97 = tpu.memref_squeeze %dma_wait3A_96 : memref<1x128xi32, #tpu.memory_space<vmem>> -> memref<128xi32, #tpu.memory_space<vmem>>
        %dma_wait3A_98 = arith.constant 0 : i32
        %dma_wait3A_99 = arith.constant 0 : i32
        %dma_wait3A_100 = tpu.memref_slice %arg12[%dma_wait3A_98, %dma_wait3A_99] : memref<10112x128xf32, #tpu.memory_space<vmem_shared>> -> memref<10112x128xf32, #tpu.memory_space<vmem_shared>>
        tpu.wait_indirect_dma semaphore(%run_scoped3A_88 : memref<!tpu.dma_semaphore, #tpu.memory_space<semaphore_mem>>) src(%arg10 : memref<128x128xf32, #tpu.memory_space<vmem>>) dst(%dma_wait3A_100 : memref<10112x128xf32, #tpu.memory_space<vmem_shared>>)
        tpu.yield
      }) : () -> ()
      %add3A_69 = arith.constant 2 : i32
      %add3A_70 = arith.addi %mul3A_54, %add3A_69 : i32
      %min3A = arith.constant 39 : i32
      %min3A_71 = arith.minsi %add3A_70, %min3A : i32
      %add3A_72 = arith.constant 1 : i32
      %add3A_73 = arith.addi %mul3A_54, %add3A_72 : i32
      %dma_wait3A_74 = arith.constant 0 : i32
      %dma_wait3A_75 = tpu.memref_slice %arg7[%add3A_73, %dma_wait3A_74] : memref<40x128xi32, #tpu.memory_space<vmem>> -> memref<1x128xi32, #tpu.memory_space<vmem>>
      %dma_wait3A_76 = tpu.memref_squeeze %dma_wait3A_75 : memref<1x128xi32, #tpu.memory_space<vmem>> -> memref<128xi32, #tpu.memory_space<vmem>>
      %dma_wait3A_77 = arith.constant 0 : i32
      %dma_wait3A_78 = arith.constant 0 : i32
      %dma_wait3A_79 = tpu.memref_slice %arg4[%dma_wait3A_77, %dma_wait3A_78] : memref<10000x128xf32, #tpu.memory_space<hbm>> -> memref<10000x128xf32, #tpu.memory_space<hbm>>
      tpu.wait_indirect_dma semaphore(%arg14 : memref<!tpu.dma_semaphore, #tpu.memory_space<semaphore_mem>>) src(%dma_wait3A_79 : memref<10000x128xf32, #tpu.memory_space<hbm>>) dst(%arg11 : memref<128x128xf32, #tpu.memory_space<vmem>>)
      %dma_start3A_80 = arith.constant 0 : i32
      %dma_start3A_81 = tpu.memref_slice %arg7[%min3A_71, %dma_start3A_80] : memref<40x128xi32, #tpu.memory_space<vmem>> -> memref<1x128xi32, #tpu.memory_space<vmem>>
      %dma_start3A_82 = tpu.memref_squeeze %dma_start3A_81 : memref<1x128xi32, #tpu.memory_space<vmem>> -> memref<128xi32, #tpu.memory_space<vmem>>
      %dma_start3A_83 = arith.constant 0 : i32
      %dma_start3A_84 = arith.constant 0 : i32
      %dma_start3A_85 = tpu.memref_slice %arg4[%dma_start3A_83, %dma_start3A_84] : memref<10000x128xf32, #tpu.memory_space<hbm>> -> memref<10000x128xf32, #tpu.memory_space<hbm>>
      tpu.enqueue_indirect_dma source(%dma_start3A_85 : memref<10000x128xf32, #tpu.memory_space<hbm>>) target(%arg10 : memref<128x128xf32, #tpu.memory_space<vmem>>) offsets(%dma_start3A_82 : memref<128xi32, #tpu.memory_space<vmem>>) semaphore(%arg13 : memref<!tpu.dma_semaphore, #tpu.memory_space<semaphore_mem>>)
      %add3A_86 = arith.constant 1 : i32
      %add3A_87 = arith.addi %mul3A_54, %add3A_86 : i32
      "tpu.region"() ({
        %run_scoped3A_88 = tpu.sem_alloc : memref<!tpu.dma_semaphore, #tpu.memory_space<semaphore_mem>>
        %dma_start3A_89 = arith.constant 0 : i32
        %dma_start3A_90 = tpu.memref_slice %arg8[%add3A_87, %dma_start3A_89] : memref<40x128xi32, #tpu.memory_space<vmem>> -> memref<1x128xi32, #tpu.memory_space<vmem>>
        %dma_start3A_91 = tpu.memref_squeeze %dma_start3A_90 : memref<1x128xi32, #tpu.memory_space<vmem>> -> memref<128xi32, #tpu.memory_space<vmem>>
        %dma_start3A_92 = arith.constant 0 : i32
        %dma_start3A_93 = arith.constant 0 : i32
        %dma_start3A_94 = tpu.memref_slice %arg12[%dma_start3A_92, %dma_start3A_93] : memref<10112x128xf32, #tpu.memory_space<vmem_shared>> -> memref<10112x128xf32, #tpu.memory_space<vmem_shared>>
        tpu.enqueue_indirect_dma source(%arg11 : memref<128x128xf32, #tpu.memory_space<vmem>>) target(%dma_start3A_94 : memref<10112x128xf32, #tpu.memory_space<vmem_shared>>) offsets(%dma_start3A_91 : memref<128xi32, #tpu.memory_space<vmem>>) semaphore(%run_scoped3A_88 : memref<!tpu.dma_semaphore, #tpu.memory_space<semaphore_mem>>) {add = true}
        %dma_wait3A_95 = arith.constant 0 : i32
        %dma_wait3A_96 = tpu.memref_slice %arg8[%add3A_87, %dma_wait3A_95] : memref<40x128xi32, #tpu.memory_space<vmem>> -> memref<1x128xi32, #tpu.memory_space<vmem>>
        %dma_wait3A_97 = tpu.memref_squeeze %dma_wait3A_96 : memref<1x128xi32, #tpu.memory_space<vmem>> -> memref<128xi32, #tpu.memory_space<vmem>>
        %dma_wait3A_98 = arith.constant 0 : i32
        %dma_wait3A_99 = arith.constant 0 : i32
        %dma_wait3A_100 = tpu.memref_slice %arg12[%dma_wait3A_98, %dma_wait3A_99] : memref<10112x128xf32, #tpu.memory_space<vmem_shared>> -> memref<10112x128xf32, #tpu.memory_space<vmem_shared>>
        tpu.wait_indirect_dma semaphore(%run_scoped3A_88 : memref<!tpu.dma_semaphore, #tpu.memory_space<semaphore_mem>>) src(%arg11 : memref<128x128xf32, #tpu.memory_space<vmem>>) dst(%dma_wait3A_100 : memref<10112x128xf32, #tpu.memory_space<vmem_shared>>)
        tpu.yield
      }) : () -> ()
    }
    %scan3A_21 = arith.constant 20 : i32
    %dma_wait3A = arith.constant 39 : i32
    %dma_wait3A_22 = arith.constant 0 : i32
    %dma_wait3A_23 = tpu.memref_slice %arg7[%dma_wait3A, %dma_wait3A_22] : memref<40x128xi32, #tpu.memory_space<vmem>> -> memref<1x128xi32, #tpu.memory_space<vmem>>
    %dma_wait3A_24 = tpu.memref_squeeze %dma_wait3A_23 : memref<1x128xi32, #tpu.memory_space<vmem>> -> memref<128xi32, #tpu.memory_space<vmem>>
    %dma_wait3A_25 = arith.constant 0 : i32
    %dma_wait3A_26 = arith.constant 0 : i32
    %dma_wait3A_27 = tpu.memref_slice %arg4[%dma_wait3A_25, %dma_wait3A_26] : memref<10000x128xf32, #tpu.memory_space<hbm>> -> memref<10000x128xf32, #tpu.memory_space<hbm>>
    tpu.wait_indirect_dma semaphore(%arg13 : memref<!tpu.dma_semaphore, #tpu.memory_space<semaphore_mem>>) src(%dma_wait3A_27 : memref<10000x128xf32, #tpu.memory_space<hbm>>) dst(%arg10 : memref<128x128xf32, #tpu.memory_space<vmem>>)
    %mul3A_28 = arith.constant 40 : i32
    %mul3A_29 = arith.muli %add3A, %mul3A_28 : i32
    %run_scoped3A_30 = arith.constant 1 : i32
    "tpu.region"() ({
      %run_scoped3A_52 = tpu.sem_alloc : memref<!tpu.dma_semaphore, #tpu.memory_space<semaphore_mem>>
      %dma_start3A_53 = arith.constant 0 : i32
      %dma_start3A_54 = tpu.memref_slice %arg2[%run_scoped3A_30, %mul3A_29, %dma_start3A_53] : memref<2x1280x128xi32, #tpu.memory_space<hbm>> -> memref<1x40x128xi32, #tpu.memory_space<hbm>>
      %dma_start3A_55 = tpu.memref_squeeze %dma_start3A_54 : memref<1x40x128xi32, #tpu.memory_space<hbm>> -> memref<40x128xi32, #tpu.memory_space<hbm>>
      %dma_start3A_56 = arith.constant 0 : i32
      %dma_start3A_57 = tpu.memref_slice %arg2[%run_scoped3A_30, %mul3A_29, %dma_start3A_56] : memref<2x1280x128xi32, #tpu.memory_space<hbm>> -> memref<1x40x128xi32, #tpu.memory_space<hbm>>
      %dma_start3A_58 = tpu.memref_squeeze %dma_start3A_57 : memref<1x40x128xi32, #tpu.memory_space<hbm>> -> memref<40x128xi32, #tpu.memory_space<hbm>>
      tpu.enqueue_dma source(%dma_start3A_58 : memref<40x128xi32, #tpu.memory_space<hbm>>) target(%arg7 : memref<40x128xi32, #tpu.memory_space<vmem>>) target_semaphore(%run_scoped3A_52 : memref<!tpu.dma_semaphore, #tpu.memory_space<semaphore_mem>>)
      %dma_wait3A_59 = arith.constant 0 : i32
      %dma_wait3A_60 = tpu.memref_slice %arg2[%run_scoped3A_30, %mul3A_29, %dma_wait3A_59] : memref<2x1280x128xi32, #tpu.memory_space<hbm>> -> memref<1x40x128xi32, #tpu.memory_space<hbm>>
      %dma_wait3A_61 = tpu.memref_squeeze %dma_wait3A_60 : memref<1x40x128xi32, #tpu.memory_space<hbm>> -> memref<40x128xi32, #tpu.memory_space<hbm>>
      %dma_wait3A_62 = arith.constant 0 : i32
      %dma_wait3A_63 = tpu.memref_slice %arg2[%run_scoped3A_30, %mul3A_29, %dma_wait3A_62] : memref<2x1280x128xi32, #tpu.memory_space<hbm>> -> memref<1x40x128xi32, #tpu.memory_space<hbm>>
      %dma_wait3A_64 = tpu.memref_squeeze %dma_wait3A_63 : memref<1x40x128xi32, #tpu.memory_space<hbm>> -> memref<40x128xi32, #tpu.memory_space<hbm>>
      tpu.wait_dma2 semaphore(%run_scoped3A_52 : memref<!tpu.dma_semaphore, #tpu.memory_space<semaphore_mem>>) src(%dma_wait3A_64 : memref<40x128xi32, #tpu.memory_space<hbm>>) dst(%arg7 : memref<40x128xi32, #tpu.memory_space<vmem>>)
      tpu.yield
    }) : () -> ()
    %dma_start3A_31 = arith.constant 0 : i32
    %dma_start3A_32 = arith.constant 0 : i32
    %dma_start3A_33 = tpu.memref_slice %arg7[%dma_start3A_31, %dma_start3A_32] : memref<40x128xi32, #tpu.memory_space<vmem>> -> memref<1x128xi32, #tpu.memory_space<vmem>>
    %dma_start3A_34 = tpu.memref_squeeze %dma_start3A_33 : memref<1x128xi32, #tpu.memory_space<vmem>> -> memref<128xi32, #tpu.memory_space<vmem>>
    %dma_start3A_35 = arith.constant 0 : i32
    %dma_start3A_36 = arith.constant 0 : i32
    %dma_start3A_37 = tpu.memref_slice %arg4[%dma_start3A_35, %dma_start3A_36] : memref<10000x128xf32, #tpu.memory_space<hbm>> -> memref<10000x128xf32, #tpu.memory_space<hbm>>
    tpu.enqueue_indirect_dma source(%dma_start3A_37 : memref<10000x128xf32, #tpu.memory_space<hbm>>) target(%arg10 : memref<128x128xf32, #tpu.memory_space<vmem>>) offsets(%dma_start3A_34 : memref<128xi32, #tpu.memory_space<vmem>>) semaphore(%arg13 : memref<!tpu.dma_semaphore, #tpu.memory_space<semaphore_mem>>)
    %scan3A_38 = arith.constant 0 : i32
    %scan3A_39 = arith.constant 0 : i32
    %scan3A_40 = arith.constant 20 : i32
    %scan3A_41 = arith.addi %scan3A_39, %scan3A_40 : i32
    %scan3A_42 = arith.constant 1 : i32
    scf.for %scan3A_52 = %scan3A_39 to %scan3A_41 step %scan3A_42  : i32 {
      %mul3A_53 = arith.constant 2 : i32
      %mul3A_54 = arith.muli %mul3A_53, %scan3A_52 : i32
      %dma_wait3A_55 = arith.constant 0 : i32
      %dma_wait3A_56 = tpu.memref_slice %arg7[%mul3A_54, %dma_wait3A_55] : memref<40x128xi32, #tpu.memory_space<vmem>> -> memref<1x128xi32, #tpu.memory_space<vmem>>
      %dma_wait3A_57 = tpu.memref_squeeze %dma_wait3A_56 : memref<1x128xi32, #tpu.memory_space<vmem>> -> memref<128xi32, #tpu.memory_space<vmem>>
      %dma_wait3A_58 = arith.constant 0 : i32
      %dma_wait3A_59 = arith.constant 0 : i32
      %dma_wait3A_60 = tpu.memref_slice %arg4[%dma_wait3A_58, %dma_wait3A_59] : memref<10000x128xf32, #tpu.memory_space<hbm>> -> memref<10000x128xf32, #tpu.memory_space<hbm>>
      tpu.wait_indirect_dma semaphore(%arg13 : memref<!tpu.dma_semaphore, #tpu.memory_space<semaphore_mem>>) src(%dma_wait3A_60 : memref<10000x128xf32, #tpu.memory_space<hbm>>) dst(%arg10 : memref<128x128xf32, #tpu.memory_space<vmem>>)
      %add3A_61 = arith.constant 1 : i32
      %add3A_62 = arith.addi %mul3A_54, %add3A_61 : i32
      %dma_start3A_63 = arith.constant 0 : i32
      %dma_start3A_64 = tpu.memref_slice %arg7[%add3A_62, %dma_start3A_63] : memref<40x128xi32, #tpu.memory_space<vmem>> -> memref<1x128xi32, #tpu.memory_space<vmem>>
      %dma_start3A_65 = tpu.memref_squeeze %dma_start3A_64 : memref<1x128xi32, #tpu.memory_space<vmem>> -> memref<128xi32, #tpu.memory_space<vmem>>
      %dma_start3A_66 = arith.constant 0 : i32
      %dma_start3A_67 = arith.constant 0 : i32
      %dma_start3A_68 = tpu.memref_slice %arg4[%dma_start3A_66, %dma_start3A_67] : memref<10000x128xf32, #tpu.memory_space<hbm>> -> memref<10000x128xf32, #tpu.memory_space<hbm>>
      tpu.enqueue_indirect_dma source(%dma_start3A_68 : memref<10000x128xf32, #tpu.memory_space<hbm>>) target(%arg11 : memref<128x128xf32, #tpu.memory_space<vmem>>) offsets(%dma_start3A_65 : memref<128xi32, #tpu.memory_space<vmem>>) semaphore(%arg14 : memref<!tpu.dma_semaphore, #tpu.memory_space<semaphore_mem>>)
      "tpu.region"() ({
        %run_scoped3A_88 = tpu.sem_alloc : memref<!tpu.dma_semaphore, #tpu.memory_space<semaphore_mem>>
        %dma_start3A_89 = arith.constant 0 : i32
        %dma_start3A_90 = tpu.memref_slice %arg9[%mul3A_54, %dma_start3A_89] : memref<40x128xi32, #tpu.memory_space<vmem>> -> memref<1x128xi32, #tpu.memory_space<vmem>>
        %dma_start3A_91 = tpu.memref_squeeze %dma_start3A_90 : memref<1x128xi32, #tpu.memory_space<vmem>> -> memref<128xi32, #tpu.memory_space<vmem>>
        %dma_start3A_92 = arith.constant 0 : i32
        %dma_start3A_93 = arith.constant 0 : i32
        %dma_start3A_94 = tpu.memref_slice %arg12[%dma_start3A_92, %dma_start3A_93] : memref<10112x128xf32, #tpu.memory_space<vmem_shared>> -> memref<10112x128xf32, #tpu.memory_space<vmem_shared>>
        tpu.enqueue_indirect_dma source(%arg10 : memref<128x128xf32, #tpu.memory_space<vmem>>) target(%dma_start3A_94 : memref<10112x128xf32, #tpu.memory_space<vmem_shared>>) offsets(%dma_start3A_91 : memref<128xi32, #tpu.memory_space<vmem>>) semaphore(%run_scoped3A_88 : memref<!tpu.dma_semaphore, #tpu.memory_space<semaphore_mem>>) {add = true}
        %dma_wait3A_95 = arith.constant 0 : i32
        %dma_wait3A_96 = tpu.memref_slice %arg9[%mul3A_54, %dma_wait3A_95] : memref<40x128xi32, #tpu.memory_space<vmem>> -> memref<1x128xi32, #tpu.memory_space<vmem>>
        %dma_wait3A_97 = tpu.memref_squeeze %dma_wait3A_96 : memref<1x128xi32, #tpu.memory_space<vmem>> -> memref<128xi32, #tpu.memory_space<vmem>>
        %dma_wait3A_98 = arith.constant 0 : i32
        %dma_wait3A_99 = arith.constant 0 : i32
        %dma_wait3A_100 = tpu.memref_slice %arg12[%dma_wait3A_98, %dma_wait3A_99] : memref<10112x128xf32, #tpu.memory_space<vmem_shared>> -> memref<10112x128xf32, #tpu.memory_space<vmem_shared>>
        tpu.wait_indirect_dma semaphore(%run_scoped3A_88 : memref<!tpu.dma_semaphore, #tpu.memory_space<semaphore_mem>>) src(%arg10 : memref<128x128xf32, #tpu.memory_space<vmem>>) dst(%dma_wait3A_100 : memref<10112x128xf32, #tpu.memory_space<vmem_shared>>)
        tpu.yield
      }) : () -> ()
      %add3A_69 = arith.constant 2 : i32
      %add3A_70 = arith.addi %mul3A_54, %add3A_69 : i32
      %min3A = arith.constant 39 : i32
      %min3A_71 = arith.minsi %add3A_70, %min3A : i32
      %add3A_72 = arith.constant 1 : i32
      %add3A_73 = arith.addi %mul3A_54, %add3A_72 : i32
      %dma_wait3A_74 = arith.constant 0 : i32
      %dma_wait3A_75 = tpu.memref_slice %arg7[%add3A_73, %dma_wait3A_74] : memref<40x128xi32, #tpu.memory_space<vmem>> -> memref<1x128xi32, #tpu.memory_space<vmem>>
      %dma_wait3A_76 = tpu.memref_squeeze %dma_wait3A_75 : memref<1x128xi32, #tpu.memory_space<vmem>> -> memref<128xi32, #tpu.memory_space<vmem>>
      %dma_wait3A_77 = arith.constant 0 : i32
      %dma_wait3A_78 = arith.constant 0 : i32
      %dma_wait3A_79 = tpu.memref_slice %arg4[%dma_wait3A_77, %dma_wait3A_78] : memref<10000x128xf32, #tpu.memory_space<hbm>> -> memref<10000x128xf32, #tpu.memory_space<hbm>>
      tpu.wait_indirect_dma semaphore(%arg14 : memref<!tpu.dma_semaphore, #tpu.memory_space<semaphore_mem>>) src(%dma_wait3A_79 : memref<10000x128xf32, #tpu.memory_space<hbm>>) dst(%arg11 : memref<128x128xf32, #tpu.memory_space<vmem>>)
      %dma_start3A_80 = arith.constant 0 : i32
      %dma_start3A_81 = tpu.memref_slice %arg7[%min3A_71, %dma_start3A_80] : memref<40x128xi32, #tpu.memory_space<vmem>> -> memref<1x128xi32, #tpu.memory_space<vmem>>
      %dma_start3A_82 = tpu.memref_squeeze %dma_start3A_81 : memref<1x128xi32, #tpu.memory_space<vmem>> -> memref<128xi32, #tpu.memory_space<vmem>>
      %dma_start3A_83 = arith.constant 0 : i32
      %dma_start3A_84 = arith.constant 0 : i32
      %dma_start3A_85 = tpu.memref_slice %arg4[%dma_start3A_83, %dma_start3A_84] : memref<10000x128xf32, #tpu.memory_space<hbm>> -> memref<10000x128xf32, #tpu.memory_space<hbm>>
      tpu.enqueue_indirect_dma source(%dma_start3A_85 : memref<10000x128xf32, #tpu.memory_space<hbm>>) target(%arg10 : memref<128x128xf32, #tpu.memory_space<vmem>>) offsets(%dma_start3A_82 : memref<128xi32, #tpu.memory_space<vmem>>) semaphore(%arg13 : memref<!tpu.dma_semaphore, #tpu.memory_space<semaphore_mem>>)
      %add3A_86 = arith.constant 1 : i32
      %add3A_87 = arith.addi %mul3A_54, %add3A_86 : i32
      "tpu.region"() ({
        %run_scoped3A_88 = tpu.sem_alloc : memref<!tpu.dma_semaphore, #tpu.memory_space<semaphore_mem>>
        %dma_start3A_89 = arith.constant 0 : i32
        %dma_start3A_90 = tpu.memref_slice %arg9[%add3A_87, %dma_start3A_89] : memref<40x128xi32, #tpu.memory_space<vmem>> -> memref<1x128xi32, #tpu.memory_space<vmem>>
        %dma_start3A_91 = tpu.memref_squeeze %dma_start3A_90 : memref<1x128xi32, #tpu.memory_space<vmem>> -> memref<128xi32, #tpu.memory_space<vmem>>
        %dma_start3A_92 = arith.constant 0 : i32
        %dma_start3A_93 = arith.constant 0 : i32
        %dma_start3A_94 = tpu.memref_slice %arg12[%dma_start3A_92, %dma_start3A_93] : memref<10112x128xf32, #tpu.memory_space<vmem_shared>> -> memref<10112x128xf32, #tpu.memory_space<vmem_shared>>
        tpu.enqueue_indirect_dma source(%arg11 : memref<128x128xf32, #tpu.memory_space<vmem>>) target(%dma_start3A_94 : memref<10112x128xf32, #tpu.memory_space<vmem_shared>>) offsets(%dma_start3A_91 : memref<128xi32, #tpu.memory_space<vmem>>) semaphore(%run_scoped3A_88 : memref<!tpu.dma_semaphore, #tpu.memory_space<semaphore_mem>>) {add = true}
        %dma_wait3A_95 = arith.constant 0 : i32
        %dma_wait3A_96 = tpu.memref_slice %arg9[%add3A_87, %dma_wait3A_95] : memref<40x128xi32, #tpu.memory_space<vmem>> -> memref<1x128xi32, #tpu.memory_space<vmem>>
        %dma_wait3A_97 = tpu.memref_squeeze %dma_wait3A_96 : memref<1x128xi32, #tpu.memory_space<vmem>> -> memref<128xi32, #tpu.memory_space<vmem>>
        %dma_wait3A_98 = arith.constant 0 : i32
        %dma_wait3A_99 = arith.constant 0 : i32
        %dma_wait3A_100 = tpu.memref_slice %arg12[%dma_wait3A_98, %dma_wait3A_99] : memref<10112x128xf32, #tpu.memory_space<vmem_shared>> -> memref<10112x128xf32, #tpu.memory_space<vmem_shared>>
        tpu.wait_indirect_dma semaphore(%run_scoped3A_88 : memref<!tpu.dma_semaphore, #tpu.memory_space<semaphore_mem>>) src(%arg11 : memref<128x128xf32, #tpu.memory_space<vmem>>) dst(%dma_wait3A_100 : memref<10112x128xf32, #tpu.memory_space<vmem_shared>>)
        tpu.yield
      }) : () -> ()
    }
    %scan3A_43 = arith.constant 20 : i32
    %dma_wait3A_44 = arith.constant 39 : i32
    %dma_wait3A_45 = arith.constant 0 : i32
    %dma_wait3A_46 = tpu.memref_slice %arg7[%dma_wait3A_44, %dma_wait3A_45] : memref<40x128xi32, #tpu.memory_space<vmem>> -> memref<1x128xi32, #tpu.memory_space<vmem>>
    %dma_wait3A_47 = tpu.memref_squeeze %dma_wait3A_46 : memref<1x128xi32, #tpu.memory_space<vmem>> -> memref<128xi32, #tpu.memory_space<vmem>>
    %dma_wait3A_48 = arith.constant 0 : i32
    %dma_wait3A_49 = arith.constant 0 : i32
    %dma_wait3A_50 = tpu.memref_slice %arg4[%dma_wait3A_48, %dma_wait3A_49] : memref<10000x128xf32, #tpu.memory_space<hbm>> -> memref<10000x128xf32, #tpu.memory_space<hbm>>
    tpu.wait_indirect_dma semaphore(%arg13 : memref<!tpu.dma_semaphore, #tpu.memory_space<semaphore_mem>>) src(%dma_wait3A_50 : memref<10000x128xf32, #tpu.memory_space<hbm>>) dst(%arg10 : memref<128x128xf32, #tpu.memory_space<vmem>>)
    %barrier3A_51 = arith.constant 0 : index
    tpu.barrier barrier_id(%barrier3A_51)
    "tpu.region"() ({
      %run_scoped3A_52 = tpu.sem_alloc : memref<!tpu.dma_semaphore, #tpu.memory_space<semaphore_mem>>
      %dma_start3A_53 = arith.constant 0 : i32
      %dma_start3A_54 = tpu.memref_slice %arg6[%arg0, %mul3A_2, %dma_start3A_53] : memref<2x10112x128xf32, #tpu.memory_space<hbm>> -> memref<1x632x128xf32, #tpu.memory_space<hbm>>
      %dma_start3A_55 = tpu.memref_squeeze %dma_start3A_54 : memref<1x632x128xf32, #tpu.memory_space<hbm>> -> memref<632x128xf32, #tpu.memory_space<hbm>>
      %dma_start3A_56 = arith.constant 0 : i32
      %dma_start3A_57 = tpu.memref_slice %arg12[%mul3A_2, %dma_start3A_56] : memref<10112x128xf32, #tpu.memory_space<vmem_shared>> -> memref<632x128xf32, #tpu.memory_space<vmem_shared>>
      tpu.enqueue_dma source(%dma_start3A_57 : memref<632x128xf32, #tpu.memory_space<vmem_shared>>) target(%dma_start3A_55 : memref<632x128xf32, #tpu.memory_space<hbm>>) target_semaphore(%run_scoped3A_52 : memref<!tpu.dma_semaphore, #tpu.memory_space<semaphore_mem>>)
      %dma_wait3A_58 = arith.constant 0 : i32
      %dma_wait3A_59 = tpu.memref_slice %arg6[%arg0, %mul3A_2, %dma_wait3A_58] : memref<2x10112x128xf32, #tpu.memory_space<hbm>> -> memref<1x632x128xf32, #tpu.memory_space<hbm>>
      %dma_wait3A_60 = tpu.memref_squeeze %dma_wait3A_59 : memref<1x632x128xf32, #tpu.memory_space<hbm>> -> memref<632x128xf32, #tpu.memory_space<hbm>>
      %dma_wait3A_61 = arith.constant 0 : i32
      %dma_wait3A_62 = tpu.memref_slice %arg12[%mul3A_2, %dma_wait3A_61] : memref<10112x128xf32, #tpu.memory_space<vmem_shared>> -> memref<632x128xf32, #tpu.memory_space<vmem_shared>>
      tpu.wait_dma2 semaphore(%run_scoped3A_52 : memref<!tpu.dma_semaphore, #tpu.memory_space<semaphore_mem>>) src(%dma_wait3A_62 : memref<632x128xf32, #tpu.memory_space<vmem_shared>>) dst(%dma_wait3A_60 : memref<632x128xf32, #tpu.memory_space<hbm>>)
      tpu.yield
    }) : () -> ()
    return
  }
}

#map = affine_map<(d0, d1) -> (0, 0, 0)>
#map1 = affine_map<(d0, d1) -> (0, 0)>
module attributes {stable_mosaic.version = 14 : i64} {
  func.func @_agg_body(%arg0: i32, %arg1: i32, %arg2: memref<2x1280x128xi32, #tpu.memory_space<hbm>>, %arg3: memref<2x1280x128xi32, #tpu.memory_space<hbm>>, %arg4: memref<10000x128xf32, #tpu.memory_space<hbm>>, %arg5: memref<10112x128xf32, #tpu.memory_space<hbm>>, %arg6: memref<2x10112x128xf32, #tpu.memory_space<hbm>>, %arg7: memref<40x128xi32, #tpu.memory_space<vmem>>, %arg8: memref<40x128xi32, #tpu.memory_space<vmem>>, %arg9: memref<40x128xi32, #tpu.memory_space<vmem>>, %arg10: memref<128x128xf32, #tpu.memory_space<vmem>>, %arg11: memref<128x128xf32, #tpu.memory_space<vmem>>, %arg12: memref<10112x128xf32, #tpu.memory_space<vmem_shared>>, %arg13: memref<!tpu.dma_semaphore, #tpu.memory_space<semaphore_mem>>, %arg14: memref<!tpu.dma_semaphore, #tpu.memory_space<semaphore_mem>>) attributes {dimension_semantics = [#tpu.dimension_semantics<core_parallel>, #tpu.dimension_semantics<subcore_parallel>], iteration_bounds = array<i64: 2, 16>, scalar_prefetch = 0 : i64, scratch_operands = 8 : i64, tpu.core_type = #tpu.core_type<sc_vector_subcore>, window_params = [{transform_indices = #map}, {transform_indices = #map}, {transform_indices = #map1}, {transform_indices = #map1}, {transform_indices = #map}]} {
    %mul3A = arith.constant 2 : i32
    %mul3A_0 = arith.muli %arg1, %mul3A : i32
    %add3A = arith.addi %mul3A_0, %arg0 : i32
    %mul3A_1 = arith.constant 632 : i32
    %mul3A_2 = arith.muli %arg1, %mul3A_1 : i32
    "tpu.region"() ({
      %run_scoped3A_52 = tpu.sem_alloc : memref<!tpu.dma_semaphore, #tpu.memory_space<semaphore_mem>>
      %dma_start3A_53 = arith.constant 0 : i32
      %dma_start3A_54 = tpu.memref_slice %arg12[%mul3A_2, %dma_start3A_53] : memref<10112x128xf32, #tpu.memory_space<vmem_shared>> -> memref<632x128xf32, #tpu.memory_space<vmem_shared>>
      %dma_start3A_55 = arith.constant 0 : i32
      %dma_start3A_56 = tpu.memref_slice %arg5[%mul3A_2, %dma_start3A_55] : memref<10112x128xf32, #tpu.memory_space<hbm>> -> memref<632x128xf32, #tpu.memory_space<hbm>>
      tpu.enqueue_dma source(%dma_start3A_56 : memref<632x128xf32, #tpu.memory_space<hbm>>) target(%dma_start3A_54 : memref<632x128xf32, #tpu.memory_space<vmem_shared>>) target_semaphore(%run_scoped3A_52 : memref<!tpu.dma_semaphore, #tpu.memory_space<semaphore_mem>>)
      %dma_wait3A_57 = arith.constant 0 : i32
      %dma_wait3A_58 = tpu.memref_slice %arg12[%mul3A_2, %dma_wait3A_57] : memref<10112x128xf32, #tpu.memory_space<vmem_shared>> -> memref<632x128xf32, #tpu.memory_space<vmem_shared>>
      %dma_wait3A_59 = arith.constant 0 : i32
      %dma_wait3A_60 = tpu.memref_slice %arg5[%mul3A_2, %dma_wait3A_59] : memref<10112x128xf32, #tpu.memory_space<hbm>> -> memref<632x128xf32, #tpu.memory_space<hbm>>
      tpu.wait_dma2 semaphore(%run_scoped3A_52 : memref<!tpu.dma_semaphore, #tpu.memory_space<semaphore_mem>>) src(%dma_wait3A_60 : memref<632x128xf32, #tpu.memory_space<hbm>>) dst(%dma_wait3A_58 : memref<632x128xf32, #tpu.memory_space<vmem_shared>>)
      tpu.yield
    }) : () -> ()
    %mul3A_3 = arith.constant 40 : i32
    %mul3A_4 = arith.muli %add3A, %mul3A_3 : i32
    %run_scoped3A = arith.constant 0 : i32
    "tpu.region"() ({
      %run_scoped3A_52 = tpu.sem_alloc : memref<!tpu.dma_semaphore, #tpu.memory_space<semaphore_mem>>
      %dma_start3A_53 = arith.constant 0 : i32
      %dma_start3A_54 = tpu.memref_slice %arg3[%run_scoped3A, %mul3A_4, %dma_start3A_53] : memref<2x1280x128xi32, #tpu.memory_space<hbm>> -> memref<1x40x128xi32, #tpu.memory_space<hbm>>
      %dma_start3A_55 = tpu.memref_squeeze %dma_start3A_54 : memref<1x40x128xi32, #tpu.memory_space<hbm>> -> memref<40x128xi32, #tpu.memory_space<hbm>>
      %dma_start3A_56 = arith.constant 0 : i32
      %dma_start3A_57 = tpu.memref_slice %arg3[%run_scoped3A, %mul3A_4, %dma_start3A_56] : memref<2x1280x128xi32, #tpu.memory_space<hbm>> -> memref<1x40x128xi32, #tpu.memory_space<hbm>>
      %dma_start3A_58 = tpu.memref_squeeze %dma_start3A_57 : memref<1x40x128xi32, #tpu.memory_space<hbm>> -> memref<40x128xi32, #tpu.memory_space<hbm>>
      tpu.enqueue_dma source(%dma_start3A_58 : memref<40x128xi32, #tpu.memory_space<hbm>>) target(%arg8 : memref<40x128xi32, #tpu.memory_space<vmem>>) target_semaphore(%run_scoped3A_52 : memref<!tpu.dma_semaphore, #tpu.memory_space<semaphore_mem>>)
      %dma_wait3A_59 = arith.constant 0 : i32
      %dma_wait3A_60 = tpu.memref_slice %arg3[%run_scoped3A, %mul3A_4, %dma_wait3A_59] : memref<2x1280x128xi32, #tpu.memory_space<hbm>> -> memref<1x40x128xi32, #tpu.memory_space<hbm>>
      %dma_wait3A_61 = tpu.memref_squeeze %dma_wait3A_60 : memref<1x40x128xi32, #tpu.memory_space<hbm>> -> memref<40x128xi32, #tpu.memory_space<hbm>>
      %dma_wait3A_62 = arith.constant 0 : i32
      %dma_wait3A_63 = tpu.memref_slice %arg3[%run_scoped3A, %mul3A_4, %dma_wait3A_62] : memref<2x1280x128xi32, #tpu.memory_space<hbm>> -> memref<1x40x128xi32, #tpu.memory_space<hbm>>
      %dma_wait3A_64 = tpu.memref_squeeze %dma_wait3A_63 : memref<1x40x128xi32, #tpu.memory_space<hbm>> -> memref<40x128xi32, #tpu.memory_space<hbm>>
      tpu.wait_dma2 semaphore(%run_scoped3A_52 : memref<!tpu.dma_semaphore, #tpu.memory_space<semaphore_mem>>) src(%dma_wait3A_64 : memref<40x128xi32, #tpu.memory_space<hbm>>) dst(%arg8 : memref<40x128xi32, #tpu.memory_space<vmem>>)
      tpu.yield
    }) : () -> ()
    %mul3A_5 = arith.constant 40 : i32
    %mul3A_6 = arith.muli %add3A, %mul3A_5 : i32
    %run_scoped3A_7 = arith.constant 1 : i32
    "tpu.region"() ({
      %run_scoped3A_52 = tpu.sem_alloc : memref<!tpu.dma_semaphore, #tpu.memory_space<semaphore_mem>>
      %dma_start3A_53 = arith.constant 0 : i32
      %dma_start3A_54 = tpu.memref_slice %arg3[%run_scoped3A_7, %mul3A_6, %dma_start3A_53] : memref<2x1280x128xi32, #tpu.memory_space<hbm>> -> memref<1x40x128xi32, #tpu.memory_space<hbm>>
      %dma_start3A_55 = tpu.memref_squeeze %dma_start3A_54 : memref<1x40x128xi32, #tpu.memory_space<hbm>> -> memref<40x128xi32, #tpu.memory_space<hbm>>
      %dma_start3A_56 = arith.constant 0 : i32
      %dma_start3A_57 = tpu.memref_slice %arg3[%run_scoped3A_7, %mul3A_6, %dma_start3A_56] : memref<2x1280x128xi32, #tpu.memory_space<hbm>> -> memref<1x40x128xi32, #tpu.memory_space<hbm>>
      %dma_start3A_58 = tpu.memref_squeeze %dma_start3A_57 : memref<1x40x128xi32, #tpu.memory_space<hbm>> -> memref<40x128xi32, #tpu.memory_space<hbm>>
      tpu.enqueue_dma source(%dma_start3A_58 : memref<40x128xi32, #tpu.memory_space<hbm>>) target(%arg9 : memref<40x128xi32, #tpu.memory_space<vmem>>) target_semaphore(%run_scoped3A_52 : memref<!tpu.dma_semaphore, #tpu.memory_space<semaphore_mem>>)
      %dma_wait3A_59 = arith.constant 0 : i32
      %dma_wait3A_60 = tpu.memref_slice %arg3[%run_scoped3A_7, %mul3A_6, %dma_wait3A_59] : memref<2x1280x128xi32, #tpu.memory_space<hbm>> -> memref<1x40x128xi32, #tpu.memory_space<hbm>>
      %dma_wait3A_61 = tpu.memref_squeeze %dma_wait3A_60 : memref<1x40x128xi32, #tpu.memory_space<hbm>> -> memref<40x128xi32, #tpu.memory_space<hbm>>
      %dma_wait3A_62 = arith.constant 0 : i32
      %dma_wait3A_63 = tpu.memref_slice %arg3[%run_scoped3A_7, %mul3A_6, %dma_wait3A_62] : memref<2x1280x128xi32, #tpu.memory_space<hbm>> -> memref<1x40x128xi32, #tpu.memory_space<hbm>>
      %dma_wait3A_64 = tpu.memref_squeeze %dma_wait3A_63 : memref<1x40x128xi32, #tpu.memory_space<hbm>> -> memref<40x128xi32, #tpu.memory_space<hbm>>
      tpu.wait_dma2 semaphore(%run_scoped3A_52 : memref<!tpu.dma_semaphore, #tpu.memory_space<semaphore_mem>>) src(%dma_wait3A_64 : memref<40x128xi32, #tpu.memory_space<hbm>>) dst(%arg9 : memref<40x128xi32, #tpu.memory_space<vmem>>)
      tpu.yield
    }) : () -> ()
    %mul3A_8 = arith.constant 40 : i32
    %mul3A_9 = arith.muli %add3A, %mul3A_8 : i32
    %run_scoped3A_10 = arith.constant 0 : i32
    "tpu.region"() ({
      %run_scoped3A_52 = tpu.sem_alloc : memref<!tpu.dma_semaphore, #tpu.memory_space<semaphore_mem>>
      %dma_start3A_53 = arith.constant 0 : i32
      %dma_start3A_54 = tpu.memref_slice %arg2[%run_scoped3A_10, %mul3A_9, %dma_start3A_53] : memref<2x1280x128xi32, #tpu.memory_space<hbm>> -> memref<1x40x128xi32, #tpu.memory_space<hbm>>
      %dma_start3A_55 = tpu.memref_squeeze %dma_start3A_54 : memref<1x40x128xi32, #tpu.memory_space<hbm>> -> memref<40x128xi32, #tpu.memory_space<hbm>>
      %dma_start3A_56 = arith.constant 0 : i32
      %dma_start3A_57 = tpu.memref_slice %arg2[%run_scoped3A_10, %mul3A_9, %dma_start3A_56] : memref<2x1280x128xi32, #tpu.memory_space<hbm>> -> memref<1x40x128xi32, #tpu.memory_space<hbm>>
      %dma_start3A_58 = tpu.memref_squeeze %dma_start3A_57 : memref<1x40x128xi32, #tpu.memory_space<hbm>> -> memref<40x128xi32, #tpu.memory_space<hbm>>
      tpu.enqueue_dma source(%dma_start3A_58 : memref<40x128xi32, #tpu.memory_space<hbm>>) target(%arg7 : memref<40x128xi32, #tpu.memory_space<vmem>>) target_semaphore(%run_scoped3A_52 : memref<!tpu.dma_semaphore, #tpu.memory_space<semaphore_mem>>)
      %dma_wait3A_59 = arith.constant 0 : i32
      %dma_wait3A_60 = tpu.memref_slice %arg2[%run_scoped3A_10, %mul3A_9, %dma_wait3A_59] : memref<2x1280x128xi32, #tpu.memory_space<hbm>> -> memref<1x40x128xi32, #tpu.memory_space<hbm>>
      %dma_wait3A_61 = tpu.memref_squeeze %dma_wait3A_60 : memref<1x40x128xi32, #tpu.memory_space<hbm>> -> memref<40x128xi32, #tpu.memory_space<hbm>>
      %dma_wait3A_62 = arith.constant 0 : i32
      %dma_wait3A_63 = tpu.memref_slice %arg2[%run_scoped3A_10, %mul3A_9, %dma_wait3A_62] : memref<2x1280x128xi32, #tpu.memory_space<hbm>> -> memref<1x40x128xi32, #tpu.memory_space<hbm>>
      %dma_wait3A_64 = tpu.memref_squeeze %dma_wait3A_63 : memref<1x40x128xi32, #tpu.memory_space<hbm>> -> memref<40x128xi32, #tpu.memory_space<hbm>>
      tpu.wait_dma2 semaphore(%run_scoped3A_52 : memref<!tpu.dma_semaphore, #tpu.memory_space<semaphore_mem>>) src(%dma_wait3A_64 : memref<40x128xi32, #tpu.memory_space<hbm>>) dst(%arg7 : memref<40x128xi32, #tpu.memory_space<vmem>>)
      tpu.yield
    }) : () -> ()
    %barrier3A = arith.constant 0 : index
    tpu.barrier barrier_id(%barrier3A)
    %dma_start3A = arith.constant 0 : i32
    %dma_start3A_11 = arith.constant 0 : i32
    %dma_start3A_12 = tpu.memref_slice %arg7[%dma_start3A, %dma_start3A_11] : memref<40x128xi32, #tpu.memory_space<vmem>> -> memref<1x128xi32, #tpu.memory_space<vmem>>
    %dma_start3A_13 = tpu.memref_squeeze %dma_start3A_12 : memref<1x128xi32, #tpu.memory_space<vmem>> -> memref<128xi32, #tpu.memory_space<vmem>>
    %dma_start3A_14 = arith.constant 0 : i32
    %dma_start3A_15 = arith.constant 0 : i32
    %dma_start3A_16 = tpu.memref_slice %arg4[%dma_start3A_14, %dma_start3A_15] : memref<10000x128xf32, #tpu.memory_space<hbm>> -> memref<10000x128xf32, #tpu.memory_space<hbm>>
    tpu.enqueue_indirect_dma source(%dma_start3A_16 : memref<10000x128xf32, #tpu.memory_space<hbm>>) target(%arg10 : memref<128x128xf32, #tpu.memory_space<vmem>>) offsets(%dma_start3A_13 : memref<128xi32, #tpu.memory_space<vmem>>) semaphore(%arg13 : memref<!tpu.dma_semaphore, #tpu.memory_space<semaphore_mem>>)
    %scan3A = arith.constant 0 : i32
    %scan3A_17 = arith.constant 0 : i32
    %scan3A_18 = arith.constant 20 : i32
    %scan3A_19 = arith.addi %scan3A_17, %scan3A_18 : i32
    %scan3A_20 = arith.constant 1 : i32
    scf.for %scan3A_52 = %scan3A_17 to %scan3A_19 step %scan3A_20  : i32 {
      %mul3A_53 = arith.constant 2 : i32
      %mul3A_54 = arith.muli %mul3A_53, %scan3A_52 : i32
      %dma_wait3A_55 = arith.constant 0 : i32
      %dma_wait3A_56 = tpu.memref_slice %arg7[%mul3A_54, %dma_wait3A_55] : memref<40x128xi32, #tpu.memory_space<vmem>> -> memref<1x128xi32, #tpu.memory_space<vmem>>
      %dma_wait3A_57 = tpu.memref_squeeze %dma_wait3A_56 : memref<1x128xi32, #tpu.memory_space<vmem>> -> memref<128xi32, #tpu.memory_space<vmem>>
      %dma_wait3A_58 = arith.constant 0 : i32
      %dma_wait3A_59 = arith.constant 0 : i32
      %dma_wait3A_60 = tpu.memref_slice %arg4[%dma_wait3A_58, %dma_wait3A_59] : memref<10000x128xf32, #tpu.memory_space<hbm>> -> memref<10000x128xf32, #tpu.memory_space<hbm>>
      tpu.wait_indirect_dma semaphore(%arg13 : memref<!tpu.dma_semaphore, #tpu.memory_space<semaphore_mem>>) src(%dma_wait3A_60 : memref<10000x128xf32, #tpu.memory_space<hbm>>) dst(%arg10 : memref<128x128xf32, #tpu.memory_space<vmem>>)
      %add3A_61 = arith.constant 1 : i32
      %add3A_62 = arith.addi %mul3A_54, %add3A_61 : i32
      %dma_start3A_63 = arith.constant 0 : i32
      %dma_start3A_64 = tpu.memref_slice %arg7[%add3A_62, %dma_start3A_63] : memref<40x128xi32, #tpu.memory_space<vmem>> -> memref<1x128xi32, #tpu.memory_space<vmem>>
      %dma_start3A_65 = tpu.memref_squeeze %dma_start3A_64 : memref<1x128xi32, #tpu.memory_space<vmem>> -> memref<128xi32, #tpu.memory_space<vmem>>
      %dma_start3A_66 = arith.constant 0 : i32
      %dma_start3A_67 = arith.constant 0 : i32
      %dma_start3A_68 = tpu.memref_slice %arg4[%dma_start3A_66, %dma_start3A_67] : memref<10000x128xf32, #tpu.memory_space<hbm>> -> memref<10000x128xf32, #tpu.memory_space<hbm>>
      tpu.enqueue_indirect_dma source(%dma_start3A_68 : memref<10000x128xf32, #tpu.memory_space<hbm>>) target(%arg11 : memref<128x128xf32, #tpu.memory_space<vmem>>) offsets(%dma_start3A_65 : memref<128xi32, #tpu.memory_space<vmem>>) semaphore(%arg14 : memref<!tpu.dma_semaphore, #tpu.memory_space<semaphore_mem>>)
      "tpu.region"() ({
        %run_scoped3A_88 = tpu.sem_alloc : memref<!tpu.dma_semaphore, #tpu.memory_space<semaphore_mem>>
        %dma_start3A_89 = arith.constant 0 : i32
        %dma_start3A_90 = tpu.memref_slice %arg8[%mul3A_54, %dma_start3A_89] : memref<40x128xi32, #tpu.memory_space<vmem>> -> memref<1x128xi32, #tpu.memory_space<vmem>>
        %dma_start3A_91 = tpu.memref_squeeze %dma_start3A_90 : memref<1x128xi32, #tpu.memory_space<vmem>> -> memref<128xi32, #tpu.memory_space<vmem>>
        %dma_start3A_92 = arith.constant 0 : i32
        %dma_start3A_93 = arith.constant 0 : i32
        %dma_start3A_94 = tpu.memref_slice %arg12[%dma_start3A_92, %dma_start3A_93] : memref<10112x128xf32, #tpu.memory_space<vmem_shared>> -> memref<10112x128xf32, #tpu.memory_space<vmem_shared>>
        tpu.enqueue_indirect_dma source(%arg10 : memref<128x128xf32, #tpu.memory_space<vmem>>) target(%dma_start3A_94 : memref<10112x128xf32, #tpu.memory_space<vmem_shared>>) offsets(%dma_start3A_91 : memref<128xi32, #tpu.memory_space<vmem>>) semaphore(%run_scoped3A_88 : memref<!tpu.dma_semaphore, #tpu.memory_space<semaphore_mem>>) {add = true}
        %dma_wait3A_95 = arith.constant 0 : i32
        %dma_wait3A_96 = tpu.memref_slice %arg8[%mul3A_54, %dma_wait3A_95] : memref<40x128xi32, #tpu.memory_space<vmem>> -> memref<1x128xi32, #tpu.memory_space<vmem>>
        %dma_wait3A_97 = tpu.memref_squeeze %dma_wait3A_96 : memref<1x128xi32, #tpu.memory_space<vmem>> -> memref<128xi32, #tpu.memory_space<vmem>>
        %dma_wait3A_98 = arith.constant 0 : i32
        %dma_wait3A_99 = arith.constant 0 : i32
        %dma_wait3A_100 = tpu.memref_slice %arg12[%dma_wait3A_98, %dma_wait3A_99] : memref<10112x128xf32, #tpu.memory_space<vmem_shared>> -> memref<10112x128xf32, #tpu.memory_space<vmem_shared>>
        tpu.wait_indirect_dma semaphore(%run_scoped3A_88 : memref<!tpu.dma_semaphore, #tpu.memory_space<semaphore_mem>>) src(%arg10 : memref<128x128xf32, #tpu.memory_space<vmem>>) dst(%dma_wait3A_100 : memref<10112x128xf32, #tpu.memory_space<vmem_shared>>)
        tpu.yield
      }) : () -> ()
      %add3A_69 = arith.constant 2 : i32
      %add3A_70 = arith.addi %mul3A_54, %add3A_69 : i32
      %min3A = arith.constant 39 : i32
      %min3A_71 = arith.minsi %add3A_70, %min3A : i32
      %add3A_72 = arith.constant 1 : i32
      %add3A_73 = arith.addi %mul3A_54, %add3A_72 : i32
      %dma_wait3A_74 = arith.constant 0 : i32
      %dma_wait3A_75 = tpu.memref_slice %arg7[%add3A_73, %dma_wait3A_74] : memref<40x128xi32, #tpu.memory_space<vmem>> -> memref<1x128xi32, #tpu.memory_space<vmem>>
      %dma_wait3A_76 = tpu.memref_squeeze %dma_wait3A_75 : memref<1x128xi32, #tpu.memory_space<vmem>> -> memref<128xi32, #tpu.memory_space<vmem>>
      %dma_wait3A_77 = arith.constant 0 : i32
      %dma_wait3A_78 = arith.constant 0 : i32
      %dma_wait3A_79 = tpu.memref_slice %arg4[%dma_wait3A_77, %dma_wait3A_78] : memref<10000x128xf32, #tpu.memory_space<hbm>> -> memref<10000x128xf32, #tpu.memory_space<hbm>>
      tpu.wait_indirect_dma semaphore(%arg14 : memref<!tpu.dma_semaphore, #tpu.memory_space<semaphore_mem>>) src(%dma_wait3A_79 : memref<10000x128xf32, #tpu.memory_space<hbm>>) dst(%arg11 : memref<128x128xf32, #tpu.memory_space<vmem>>)
      %dma_start3A_80 = arith.constant 0 : i32
      %dma_start3A_81 = tpu.memref_slice %arg7[%min3A_71, %dma_start3A_80] : memref<40x128xi32, #tpu.memory_space<vmem>> -> memref<1x128xi32, #tpu.memory_space<vmem>>
      %dma_start3A_82 = tpu.memref_squeeze %dma_start3A_81 : memref<1x128xi32, #tpu.memory_space<vmem>> -> memref<128xi32, #tpu.memory_space<vmem>>
      %dma_start3A_83 = arith.constant 0 : i32
      %dma_start3A_84 = arith.constant 0 : i32
      %dma_start3A_85 = tpu.memref_slice %arg4[%dma_start3A_83, %dma_start3A_84] : memref<10000x128xf32, #tpu.memory_space<hbm>> -> memref<10000x128xf32, #tpu.memory_space<hbm>>
      tpu.enqueue_indirect_dma source(%dma_start3A_85 : memref<10000x128xf32, #tpu.memory_space<hbm>>) target(%arg10 : memref<128x128xf32, #tpu.memory_space<vmem>>) offsets(%dma_start3A_82 : memref<128xi32, #tpu.memory_space<vmem>>) semaphore(%arg13 : memref<!tpu.dma_semaphore, #tpu.memory_space<semaphore_mem>>)
      %add3A_86 = arith.constant 1 : i32
      %add3A_87 = arith.addi %mul3A_54, %add3A_86 : i32
      "tpu.region"() ({
        %run_scoped3A_88 = tpu.sem_alloc : memref<!tpu.dma_semaphore, #tpu.memory_space<semaphore_mem>>
        %dma_start3A_89 = arith.constant 0 : i32
        %dma_start3A_90 = tpu.memref_slice %arg8[%add3A_87, %dma_start3A_89] : memref<40x128xi32, #tpu.memory_space<vmem>> -> memref<1x128xi32, #tpu.memory_space<vmem>>
        %dma_start3A_91 = tpu.memref_squeeze %dma_start3A_90 : memref<1x128xi32, #tpu.memory_space<vmem>> -> memref<128xi32, #tpu.memory_space<vmem>>
        %dma_start3A_92 = arith.constant 0 : i32
        %dma_start3A_93 = arith.constant 0 : i32
        %dma_start3A_94 = tpu.memref_slice %arg12[%dma_start3A_92, %dma_start3A_93] : memref<10112x128xf32, #tpu.memory_space<vmem_shared>> -> memref<10112x128xf32, #tpu.memory_space<vmem_shared>>
        tpu.enqueue_indirect_dma source(%arg11 : memref<128x128xf32, #tpu.memory_space<vmem>>) target(%dma_start3A_94 : memref<10112x128xf32, #tpu.memory_space<vmem_shared>>) offsets(%dma_start3A_91 : memref<128xi32, #tpu.memory_space<vmem>>) semaphore(%run_scoped3A_88 : memref<!tpu.dma_semaphore, #tpu.memory_space<semaphore_mem>>) {add = true}
        %dma_wait3A_95 = arith.constant 0 : i32
        %dma_wait3A_96 = tpu.memref_slice %arg8[%add3A_87, %dma_wait3A_95] : memref<40x128xi32, #tpu.memory_space<vmem>> -> memref<1x128xi32, #tpu.memory_space<vmem>>
        %dma_wait3A_97 = tpu.memref_squeeze %dma_wait3A_96 : memref<1x128xi32, #tpu.memory_space<vmem>> -> memref<128xi32, #tpu.memory_space<vmem>>
        %dma_wait3A_98 = arith.constant 0 : i32
        %dma_wait3A_99 = arith.constant 0 : i32
        %dma_wait3A_100 = tpu.memref_slice %arg12[%dma_wait3A_98, %dma_wait3A_99] : memref<10112x128xf32, #tpu.memory_space<vmem_shared>> -> memref<10112x128xf32, #tpu.memory_space<vmem_shared>>
        tpu.wait_indirect_dma semaphore(%run_scoped3A_88 : memref<!tpu.dma_semaphore, #tpu.memory_space<semaphore_mem>>) src(%arg11 : memref<128x128xf32, #tpu.memory_space<vmem>>) dst(%dma_wait3A_100 : memref<10112x128xf32, #tpu.memory_space<vmem_shared>>)
        tpu.yield
      }) : () -> ()
    }
    %scan3A_21 = arith.constant 20 : i32
    %dma_wait3A = arith.constant 39 : i32
    %dma_wait3A_22 = arith.constant 0 : i32
    %dma_wait3A_23 = tpu.memref_slice %arg7[%dma_wait3A, %dma_wait3A_22] : memref<40x128xi32, #tpu.memory_space<vmem>> -> memref<1x128xi32, #tpu.memory_space<vmem>>
    %dma_wait3A_24 = tpu.memref_squeeze %dma_wait3A_23 : memref<1x128xi32, #tpu.memory_space<vmem>> -> memref<128xi32, #tpu.memory_space<vmem>>
    %dma_wait3A_25 = arith.constant 0 : i32
    %dma_wait3A_26 = arith.constant 0 : i32
    %dma_wait3A_27 = tpu.memref_slice %arg4[%dma_wait3A_25, %dma_wait3A_26] : memref<10000x128xf32, #tpu.memory_space<hbm>> -> memref<10000x128xf32, #tpu.memory_space<hbm>>
    tpu.wait_indirect_dma semaphore(%arg13 : memref<!tpu.dma_semaphore, #tpu.memory_space<semaphore_mem>>) src(%dma_wait3A_27 : memref<10000x128xf32, #tpu.memory_space<hbm>>) dst(%arg10 : memref<128x128xf32, #tpu.memory_space<vmem>>)
    %mul3A_28 = arith.constant 40 : i32
    %mul3A_29 = arith.muli %add3A, %mul3A_28 : i32
    %run_scoped3A_30 = arith.constant 1 : i32
    "tpu.region"() ({
      %run_scoped3A_52 = tpu.sem_alloc : memref<!tpu.dma_semaphore, #tpu.memory_space<semaphore_mem>>
      %dma_start3A_53 = arith.constant 0 : i32
      %dma_start3A_54 = tpu.memref_slice %arg2[%run_scoped3A_30, %mul3A_29, %dma_start3A_53] : memref<2x1280x128xi32, #tpu.memory_space<hbm>> -> memref<1x40x128xi32, #tpu.memory_space<hbm>>
      %dma_start3A_55 = tpu.memref_squeeze %dma_start3A_54 : memref<1x40x128xi32, #tpu.memory_space<hbm>> -> memref<40x128xi32, #tpu.memory_space<hbm>>
      %dma_start3A_56 = arith.constant 0 : i32
      %dma_start3A_57 = tpu.memref_slice %arg2[%run_scoped3A_30, %mul3A_29, %dma_start3A_56] : memref<2x1280x128xi32, #tpu.memory_space<hbm>> -> memref<1x40x128xi32, #tpu.memory_space<hbm>>
      %dma_start3A_58 = tpu.memref_squeeze %dma_start3A_57 : memref<1x40x128xi32, #tpu.memory_space<hbm>> -> memref<40x128xi32, #tpu.memory_space<hbm>>
      tpu.enqueue_dma source(%dma_start3A_58 : memref<40x128xi32, #tpu.memory_space<hbm>>) target(%arg7 : memref<40x128xi32, #tpu.memory_space<vmem>>) target_semaphore(%run_scoped3A_52 : memref<!tpu.dma_semaphore, #tpu.memory_space<semaphore_mem>>)
      %dma_wait3A_59 = arith.constant 0 : i32
      %dma_wait3A_60 = tpu.memref_slice %arg2[%run_scoped3A_30, %mul3A_29, %dma_wait3A_59] : memref<2x1280x128xi32, #tpu.memory_space<hbm>> -> memref<1x40x128xi32, #tpu.memory_space<hbm>>
      %dma_wait3A_61 = tpu.memref_squeeze %dma_wait3A_60 : memref<1x40x128xi32, #tpu.memory_space<hbm>> -> memref<40x128xi32, #tpu.memory_space<hbm>>
      %dma_wait3A_62 = arith.constant 0 : i32
      %dma_wait3A_63 = tpu.memref_slice %arg2[%run_scoped3A_30, %mul3A_29, %dma_wait3A_62] : memref<2x1280x128xi32, #tpu.memory_space<hbm>> -> memref<1x40x128xi32, #tpu.memory_space<hbm>>
      %dma_wait3A_64 = tpu.memref_squeeze %dma_wait3A_63 : memref<1x40x128xi32, #tpu.memory_space<hbm>> -> memref<40x128xi32, #tpu.memory_space<hbm>>
      tpu.wait_dma2 semaphore(%run_scoped3A_52 : memref<!tpu.dma_semaphore, #tpu.memory_space<semaphore_mem>>) src(%dma_wait3A_64 : memref<40x128xi32, #tpu.memory_space<hbm>>) dst(%arg7 : memref<40x128xi32, #tpu.memory_space<vmem>>)
      tpu.yield
    }) : () -> ()
    %dma_start3A_31 = arith.constant 0 : i32
    %dma_start3A_32 = arith.constant 0 : i32
    %dma_start3A_33 = tpu.memref_slice %arg7[%dma_start3A_31, %dma_start3A_32] : memref<40x128xi32, #tpu.memory_space<vmem>> -> memref<1x128xi32, #tpu.memory_space<vmem>>
    %dma_start3A_34 = tpu.memref_squeeze %dma_start3A_33 : memref<1x128xi32, #tpu.memory_space<vmem>> -> memref<128xi32, #tpu.memory_space<vmem>>
    %dma_start3A_35 = arith.constant 0 : i32
    %dma_start3A_36 = arith.constant 0 : i32
    %dma_start3A_37 = tpu.memref_slice %arg4[%dma_start3A_35, %dma_start3A_36] : memref<10000x128xf32, #tpu.memory_space<hbm>> -> memref<10000x128xf32, #tpu.memory_space<hbm>>
    tpu.enqueue_indirect_dma source(%dma_start3A_37 : memref<10000x128xf32, #tpu.memory_space<hbm>>) target(%arg10 : memref<128x128xf32, #tpu.memory_space<vmem>>) offsets(%dma_start3A_34 : memref<128xi32, #tpu.memory_space<vmem>>) semaphore(%arg13 : memref<!tpu.dma_semaphore, #tpu.memory_space<semaphore_mem>>)
    %scan3A_38 = arith.constant 0 : i32
    %scan3A_39 = arith.constant 0 : i32
    %scan3A_40 = arith.constant 20 : i32
    %scan3A_41 = arith.addi %scan3A_39, %scan3A_40 : i32
    %scan3A_42 = arith.constant 1 : i32
    scf.for %scan3A_52 = %scan3A_39 to %scan3A_41 step %scan3A_42  : i32 {
      %mul3A_53 = arith.constant 2 : i32
      %mul3A_54 = arith.muli %mul3A_53, %scan3A_52 : i32
      %dma_wait3A_55 = arith.constant 0 : i32
      %dma_wait3A_56 = tpu.memref_slice %arg7[%mul3A_54, %dma_wait3A_55] : memref<40x128xi32, #tpu.memory_space<vmem>> -> memref<1x128xi32, #tpu.memory_space<vmem>>
      %dma_wait3A_57 = tpu.memref_squeeze %dma_wait3A_56 : memref<1x128xi32, #tpu.memory_space<vmem>> -> memref<128xi32, #tpu.memory_space<vmem>>
      %dma_wait3A_58 = arith.constant 0 : i32
      %dma_wait3A_59 = arith.constant 0 : i32
      %dma_wait3A_60 = tpu.memref_slice %arg4[%dma_wait3A_58, %dma_wait3A_59] : memref<10000x128xf32, #tpu.memory_space<hbm>> -> memref<10000x128xf32, #tpu.memory_space<hbm>>
      tpu.wait_indirect_dma semaphore(%arg13 : memref<!tpu.dma_semaphore, #tpu.memory_space<semaphore_mem>>) src(%dma_wait3A_60 : memref<10000x128xf32, #tpu.memory_space<hbm>>) dst(%arg10 : memref<128x128xf32, #tpu.memory_space<vmem>>)
      %add3A_61 = arith.constant 1 : i32
      %add3A_62 = arith.addi %mul3A_54, %add3A_61 : i32
      %dma_start3A_63 = arith.constant 0 : i32
      %dma_start3A_64 = tpu.memref_slice %arg7[%add3A_62, %dma_start3A_63] : memref<40x128xi32, #tpu.memory_space<vmem>> -> memref<1x128xi32, #tpu.memory_space<vmem>>
      %dma_start3A_65 = tpu.memref_squeeze %dma_start3A_64 : memref<1x128xi32, #tpu.memory_space<vmem>> -> memref<128xi32, #tpu.memory_space<vmem>>
      %dma_start3A_66 = arith.constant 0 : i32
      %dma_start3A_67 = arith.constant 0 : i32
      %dma_start3A_68 = tpu.memref_slice %arg4[%dma_start3A_66, %dma_start3A_67] : memref<10000x128xf32, #tpu.memory_space<hbm>> -> memref<10000x128xf32, #tpu.memory_space<hbm>>
      tpu.enqueue_indirect_dma source(%dma_start3A_68 : memref<10000x128xf32, #tpu.memory_space<hbm>>) target(%arg11 : memref<128x128xf32, #tpu.memory_space<vmem>>) offsets(%dma_start3A_65 : memref<128xi32, #tpu.memory_space<vmem>>) semaphore(%arg14 : memref<!tpu.dma_semaphore, #tpu.memory_space<semaphore_mem>>)
      "tpu.region"() ({
        %run_scoped3A_88 = tpu.sem_alloc : memref<!tpu.dma_semaphore, #tpu.memory_space<semaphore_mem>>
        %dma_start3A_89 = arith.constant 0 : i32
        %dma_start3A_90 = tpu.memref_slice %arg9[%mul3A_54, %dma_start3A_89] : memref<40x128xi32, #tpu.memory_space<vmem>> -> memref<1x128xi32, #tpu.memory_space<vmem>>
        %dma_start3A_91 = tpu.memref_squeeze %dma_start3A_90 : memref<1x128xi32, #tpu.memory_space<vmem>> -> memref<128xi32, #tpu.memory_space<vmem>>
        %dma_start3A_92 = arith.constant 0 : i32
        %dma_start3A_93 = arith.constant 0 : i32
        %dma_start3A_94 = tpu.memref_slice %arg12[%dma_start3A_92, %dma_start3A_93] : memref<10112x128xf32, #tpu.memory_space<vmem_shared>> -> memref<10112x128xf32, #tpu.memory_space<vmem_shared>>
        tpu.enqueue_indirect_dma source(%arg10 : memref<128x128xf32, #tpu.memory_space<vmem>>) target(%dma_start3A_94 : memref<10112x128xf32, #tpu.memory_space<vmem_shared>>) offsets(%dma_start3A_91 : memref<128xi32, #tpu.memory_space<vmem>>) semaphore(%run_scoped3A_88 : memref<!tpu.dma_semaphore, #tpu.memory_space<semaphore_mem>>) {add = true}
        %dma_wait3A_95 = arith.constant 0 : i32
        %dma_wait3A_96 = tpu.memref_slice %arg9[%mul3A_54, %dma_wait3A_95] : memref<40x128xi32, #tpu.memory_space<vmem>> -> memref<1x128xi32, #tpu.memory_space<vmem>>
        %dma_wait3A_97 = tpu.memref_squeeze %dma_wait3A_96 : memref<1x128xi32, #tpu.memory_space<vmem>> -> memref<128xi32, #tpu.memory_space<vmem>>
        %dma_wait3A_98 = arith.constant 0 : i32
        %dma_wait3A_99 = arith.constant 0 : i32
        %dma_wait3A_100 = tpu.memref_slice %arg12[%dma_wait3A_98, %dma_wait3A_99] : memref<10112x128xf32, #tpu.memory_space<vmem_shared>> -> memref<10112x128xf32, #tpu.memory_space<vmem_shared>>
        tpu.wait_indirect_dma semaphore(%run_scoped3A_88 : memref<!tpu.dma_semaphore, #tpu.memory_space<semaphore_mem>>) src(%arg10 : memref<128x128xf32, #tpu.memory_space<vmem>>) dst(%dma_wait3A_100 : memref<10112x128xf32, #tpu.memory_space<vmem_shared>>)
        tpu.yield
      }) : () -> ()
      %add3A_69 = arith.constant 2 : i32
      %add3A_70 = arith.addi %mul3A_54, %add3A_69 : i32
      %min3A = arith.constant 39 : i32
      %min3A_71 = arith.minsi %add3A_70, %min3A : i32
      %add3A_72 = arith.constant 1 : i32
      %add3A_73 = arith.addi %mul3A_54, %add3A_72 : i32
      %dma_wait3A_74 = arith.constant 0 : i32
      %dma_wait3A_75 = tpu.memref_slice %arg7[%add3A_73, %dma_wait3A_74] : memref<40x128xi32, #tpu.memory_space<vmem>> -> memref<1x128xi32, #tpu.memory_space<vmem>>
      %dma_wait3A_76 = tpu.memref_squeeze %dma_wait3A_75 : memref<1x128xi32, #tpu.memory_space<vmem>> -> memref<128xi32, #tpu.memory_space<vmem>>
      %dma_wait3A_77 = arith.constant 0 : i32
      %dma_wait3A_78 = arith.constant 0 : i32
      %dma_wait3A_79 = tpu.memref_slice %arg4[%dma_wait3A_77, %dma_wait3A_78] : memref<10000x128xf32, #tpu.memory_space<hbm>> -> memref<10000x128xf32, #tpu.memory_space<hbm>>
      tpu.wait_indirect_dma semaphore(%arg14 : memref<!tpu.dma_semaphore, #tpu.memory_space<semaphore_mem>>) src(%dma_wait3A_79 : memref<10000x128xf32, #tpu.memory_space<hbm>>) dst(%arg11 : memref<128x128xf32, #tpu.memory_space<vmem>>)
      %dma_start3A_80 = arith.constant 0 : i32
      %dma_start3A_81 = tpu.memref_slice %arg7[%min3A_71, %dma_start3A_80] : memref<40x128xi32, #tpu.memory_space<vmem>> -> memref<1x128xi32, #tpu.memory_space<vmem>>
      %dma_start3A_82 = tpu.memref_squeeze %dma_start3A_81 : memref<1x128xi32, #tpu.memory_space<vmem>> -> memref<128xi32, #tpu.memory_space<vmem>>
      %dma_start3A_83 = arith.constant 0 : i32
      %dma_start3A_84 = arith.constant 0 : i32
      %dma_start3A_85 = tpu.memref_slice %arg4[%dma_start3A_83, %dma_start3A_84] : memref<10000x128xf32, #tpu.memory_space<hbm>> -> memref<10000x128xf32, #tpu.memory_space<hbm>>
      tpu.enqueue_indirect_dma source(%dma_start3A_85 : memref<10000x128xf32, #tpu.memory_space<hbm>>) target(%arg10 : memref<128x128xf32, #tpu.memory_space<vmem>>) offsets(%dma_start3A_82 : memref<128xi32, #tpu.memory_space<vmem>>) semaphore(%arg13 : memref<!tpu.dma_semaphore, #tpu.memory_space<semaphore_mem>>)
      %add3A_86 = arith.constant 1 : i32
      %add3A_87 = arith.addi %mul3A_54, %add3A_86 : i32
      "tpu.region"() ({
        %run_scoped3A_88 = tpu.sem_alloc : memref<!tpu.dma_semaphore, #tpu.memory_space<semaphore_mem>>
        %dma_start3A_89 = arith.constant 0 : i32
        %dma_start3A_90 = tpu.memref_slice %arg9[%add3A_87, %dma_start3A_89] : memref<40x128xi32, #tpu.memory_space<vmem>> -> memref<1x128xi32, #tpu.memory_space<vmem>>
        %dma_start3A_91 = tpu.memref_squeeze %dma_start3A_90 : memref<1x128xi32, #tpu.memory_space<vmem>> -> memref<128xi32, #tpu.memory_space<vmem>>
        %dma_start3A_92 = arith.constant 0 : i32
        %dma_start3A_93 = arith.constant 0 : i32
        %dma_start3A_94 = tpu.memref_slice %arg12[%dma_start3A_92, %dma_start3A_93] : memref<10112x128xf32, #tpu.memory_space<vmem_shared>> -> memref<10112x128xf32, #tpu.memory_space<vmem_shared>>
        tpu.enqueue_indirect_dma source(%arg11 : memref<128x128xf32, #tpu.memory_space<vmem>>) target(%dma_start3A_94 : memref<10112x128xf32, #tpu.memory_space<vmem_shared>>) offsets(%dma_start3A_91 : memref<128xi32, #tpu.memory_space<vmem>>) semaphore(%run_scoped3A_88 : memref<!tpu.dma_semaphore, #tpu.memory_space<semaphore_mem>>) {add = true}
        %dma_wait3A_95 = arith.constant 0 : i32
        %dma_wait3A_96 = tpu.memref_slice %arg9[%add3A_87, %dma_wait3A_95] : memref<40x128xi32, #tpu.memory_space<vmem>> -> memref<1x128xi32, #tpu.memory_space<vmem>>
        %dma_wait3A_97 = tpu.memref_squeeze %dma_wait3A_96 : memref<1x128xi32, #tpu.memory_space<vmem>> -> memref<128xi32, #tpu.memory_space<vmem>>
        %dma_wait3A_98 = arith.constant 0 : i32
        %dma_wait3A_99 = arith.constant 0 : i32
        %dma_wait3A_100 = tpu.memref_slice %arg12[%dma_wait3A_98, %dma_wait3A_99] : memref<10112x128xf32, #tpu.memory_space<vmem_shared>> -> memref<10112x128xf32, #tpu.memory_space<vmem_shared>>
        tpu.wait_indirect_dma semaphore(%run_scoped3A_88 : memref<!tpu.dma_semaphore, #tpu.memory_space<semaphore_mem>>) src(%arg11 : memref<128x128xf32, #tpu.memory_space<vmem>>) dst(%dma_wait3A_100 : memref<10112x128xf32, #tpu.memory_space<vmem_shared>>)
        tpu.yield
      }) : () -> ()
    }
    %scan3A_43 = arith.constant 20 : i32
    %dma_wait3A_44 = arith.constant 39 : i32
    %dma_wait3A_45 = arith.constant 0 : i32
    %dma_wait3A_46 = tpu.memref_slice %arg7[%dma_wait3A_44, %dma_wait3A_45] : memref<40x128xi32, #tpu.memory_space<vmem>> -> memref<1x128xi32, #tpu.memory_space<vmem>>
    %dma_wait3A_47 = tpu.memref_squeeze %dma_wait3A_46 : memref<1x128xi32, #tpu.memory_space<vmem>> -> memref<128xi32, #tpu.memory_space<vmem>>
    %dma_wait3A_48 = arith.constant 0 : i32
    %dma_wait3A_49 = arith.constant 0 : i32
    %dma_wait3A_50 = tpu.memref_slice %arg4[%dma_wait3A_48, %dma_wait3A_49] : memref<10000x128xf32, #tpu.memory_space<hbm>> -> memref<10000x128xf32, #tpu.memory_space<hbm>>
    tpu.wait_indirect_dma semaphore(%arg13 : memref<!tpu.dma_semaphore, #tpu.memory_space<semaphore_mem>>) src(%dma_wait3A_50 : memref<10000x128xf32, #tpu.memory_space<hbm>>) dst(%arg10 : memref<128x128xf32, #tpu.memory_space<vmem>>)
    %barrier3A_51 = arith.constant 0 : index
    tpu.barrier barrier_id(%barrier3A_51)
    "tpu.region"() ({
      %run_scoped3A_52 = tpu.sem_alloc : memref<!tpu.dma_semaphore, #tpu.memory_space<semaphore_mem>>
      %dma_start3A_53 = arith.constant 0 : i32
      %dma_start3A_54 = tpu.memref_slice %arg6[%arg0, %mul3A_2, %dma_start3A_53] : memref<2x10112x128xf32, #tpu.memory_space<hbm>> -> memref<1x632x128xf32, #tpu.memory_space<hbm>>
      %dma_start3A_55 = tpu.memref_squeeze %dma_start3A_54 : memref<1x632x128xf32, #tpu.memory_space<hbm>> -> memref<632x128xf32, #tpu.memory_space<hbm>>
      %dma_start3A_56 = arith.constant 0 : i32
      %dma_start3A_57 = tpu.memref_slice %arg12[%mul3A_2, %dma_start3A_56] : memref<10112x128xf32, #tpu.memory_space<vmem_shared>> -> memref<632x128xf32, #tpu.memory_space<vmem_shared>>
      tpu.enqueue_dma source(%dma_start3A_57 : memref<632x128xf32, #tpu.memory_space<vmem_shared>>) target(%dma_start3A_55 : memref<632x128xf32, #tpu.memory_space<hbm>>) target_semaphore(%run_scoped3A_52 : memref<!tpu.dma_semaphore, #tpu.memory_space<semaphore_mem>>)
      %dma_wait3A_58 = arith.constant 0 : i32
      %dma_wait3A_59 = tpu.memref_slice %arg6[%arg0, %mul3A_2, %dma_wait3A_58] : memref<2x10112x128xf32, #tpu.memory_space<hbm>> -> memref<1x632x128xf32, #tpu.memory_space<hbm>>
      %dma_wait3A_60 = tpu.memref_squeeze %dma_wait3A_59 : memref<1x632x128xf32, #tpu.memory_space<hbm>> -> memref<632x128xf32, #tpu.memory_space<hbm>>
      %dma_wait3A_61 = arith.constant 0 : i32
      %dma_wait3A_62 = tpu.memref_slice %arg12[%mul3A_2, %dma_wait3A_61] : memref<10112x128xf32, #tpu.memory_space<vmem_shared>> -> memref<632x128xf32, #tpu.memory_space<vmem_shared>>
      tpu.wait_dma2 semaphore(%run_scoped3A_52 : memref<!tpu.dma_semaphore, #tpu.memory_space<semaphore_mem>>) src(%dma_wait3A_62 : memref<632x128xf32, #tpu.memory_space<vmem_shared>>) dst(%dma_wait3A_60 : memref<632x128xf32, #tpu.memory_space<hbm>>)
      tpu.yield
    }) : () -> ()
    return
  }
}

#map = affine_map<(d0, d1) -> (0, 0, 0)>
#map1 = affine_map<(d0, d1) -> (0, 0)>
module attributes {stable_mosaic.version = 14 : i64} {
  func.func @_deg_body(%arg0: i32, %arg1: i32, %arg2: memref<2x1280x128xi32, #tpu.memory_space<hbm>>, %arg3: memref<128x128xf32, #tpu.memory_space<hbm>>, %arg4: memref<10112x128xf32, #tpu.memory_space<hbm>>, %arg5: memref<2x10112x128xf32, #tpu.memory_space<hbm>>, %arg6: memref<40x128xi32, #tpu.memory_space<vmem>>, %arg7: memref<40x128xi32, #tpu.memory_space<vmem>>, %arg8: memref<128x128xf32, #tpu.memory_space<vmem>>, %arg9: memref<10112x128xf32, #tpu.memory_space<vmem_shared>>) attributes {dimension_semantics = [#tpu.dimension_semantics<core_parallel>, #tpu.dimension_semantics<subcore_parallel>], iteration_bounds = array<i64: 2, 16>, scalar_prefetch = 0 : i64, scratch_operands = 4 : i64, tpu.core_type = #tpu.core_type<sc_vector_subcore>, window_params = [{transform_indices = #map}, {transform_indices = #map1}, {transform_indices = #map1}, {transform_indices = #map}]} {
    %mul3A = arith.constant 2 : i32
    %mul3A_0 = arith.muli %arg1, %mul3A : i32
    %add3A = arith.addi %mul3A_0, %arg0 : i32
    %mul3A_1 = arith.constant 632 : i32
    %mul3A_2 = arith.muli %arg1, %mul3A_1 : i32
    "tpu.region"() ({
      %run_scoped3A_20 = tpu.sem_alloc : memref<!tpu.dma_semaphore, #tpu.memory_space<semaphore_mem>>
      %dma_start3A = arith.constant 0 : i32
      %dma_start3A_21 = tpu.memref_slice %arg9[%mul3A_2, %dma_start3A] : memref<10112x128xf32, #tpu.memory_space<vmem_shared>> -> memref<632x128xf32, #tpu.memory_space<vmem_shared>>
      %dma_start3A_22 = arith.constant 0 : i32
      %dma_start3A_23 = tpu.memref_slice %arg4[%mul3A_2, %dma_start3A_22] : memref<10112x128xf32, #tpu.memory_space<hbm>> -> memref<632x128xf32, #tpu.memory_space<hbm>>
      tpu.enqueue_dma source(%dma_start3A_23 : memref<632x128xf32, #tpu.memory_space<hbm>>) target(%dma_start3A_21 : memref<632x128xf32, #tpu.memory_space<vmem_shared>>) target_semaphore(%run_scoped3A_20 : memref<!tpu.dma_semaphore, #tpu.memory_space<semaphore_mem>>)
      %dma_wait3A = arith.constant 0 : i32
      %dma_wait3A_24 = tpu.memref_slice %arg9[%mul3A_2, %dma_wait3A] : memref<10112x128xf32, #tpu.memory_space<vmem_shared>> -> memref<632x128xf32, #tpu.memory_space<vmem_shared>>
      %dma_wait3A_25 = arith.constant 0 : i32
      %dma_wait3A_26 = tpu.memref_slice %arg4[%mul3A_2, %dma_wait3A_25] : memref<10112x128xf32, #tpu.memory_space<hbm>> -> memref<632x128xf32, #tpu.memory_space<hbm>>
      tpu.wait_dma2 semaphore(%run_scoped3A_20 : memref<!tpu.dma_semaphore, #tpu.memory_space<semaphore_mem>>) src(%dma_wait3A_26 : memref<632x128xf32, #tpu.memory_space<hbm>>) dst(%dma_wait3A_24 : memref<632x128xf32, #tpu.memory_space<vmem_shared>>)
      tpu.yield
    }) : () -> ()
    "tpu.region"() ({
      %run_scoped3A_20 = tpu.sem_alloc : memref<!tpu.dma_semaphore, #tpu.memory_space<semaphore_mem>>
      tpu.enqueue_dma source(%arg3 : memref<128x128xf32, #tpu.memory_space<hbm>>) target(%arg8 : memref<128x128xf32, #tpu.memory_space<vmem>>) target_semaphore(%run_scoped3A_20 : memref<!tpu.dma_semaphore, #tpu.memory_space<semaphore_mem>>)
      tpu.wait_dma2 semaphore(%run_scoped3A_20 : memref<!tpu.dma_semaphore, #tpu.memory_space<semaphore_mem>>) src(%arg3 : memref<128x128xf32, #tpu.memory_space<hbm>>) dst(%arg8 : memref<128x128xf32, #tpu.memory_space<vmem>>)
      tpu.yield
    }) : () -> ()
    %mul3A_3 = arith.constant 40 : i32
    %mul3A_4 = arith.muli %add3A, %mul3A_3 : i32
    %run_scoped3A = arith.constant 0 : i32
    "tpu.region"() ({
      %run_scoped3A_20 = tpu.sem_alloc : memref<!tpu.dma_semaphore, #tpu.memory_space<semaphore_mem>>
      %dma_start3A = arith.constant 0 : i32
      %dma_start3A_21 = tpu.memref_slice %arg2[%run_scoped3A, %mul3A_4, %dma_start3A] : memref<2x1280x128xi32, #tpu.memory_space<hbm>> -> memref<1x40x128xi32, #tpu.memory_space<hbm>>
      %dma_start3A_22 = tpu.memref_squeeze %dma_start3A_21 : memref<1x40x128xi32, #tpu.memory_space<hbm>> -> memref<40x128xi32, #tpu.memory_space<hbm>>
      %dma_start3A_23 = arith.constant 0 : i32
      %dma_start3A_24 = tpu.memref_slice %arg2[%run_scoped3A, %mul3A_4, %dma_start3A_23] : memref<2x1280x128xi32, #tpu.memory_space<hbm>> -> memref<1x40x128xi32, #tpu.memory_space<hbm>>
      %dma_start3A_25 = tpu.memref_squeeze %dma_start3A_24 : memref<1x40x128xi32, #tpu.memory_space<hbm>> -> memref<40x128xi32, #tpu.memory_space<hbm>>
      tpu.enqueue_dma source(%dma_start3A_25 : memref<40x128xi32, #tpu.memory_space<hbm>>) target(%arg6 : memref<40x128xi32, #tpu.memory_space<vmem>>) target_semaphore(%run_scoped3A_20 : memref<!tpu.dma_semaphore, #tpu.memory_space<semaphore_mem>>)
      %dma_wait3A = arith.constant 0 : i32
      %dma_wait3A_26 = tpu.memref_slice %arg2[%run_scoped3A, %mul3A_4, %dma_wait3A] : memref<2x1280x128xi32, #tpu.memory_space<hbm>> -> memref<1x40x128xi32, #tpu.memory_space<hbm>>
      %dma_wait3A_27 = tpu.memref_squeeze %dma_wait3A_26 : memref<1x40x128xi32, #tpu.memory_space<hbm>> -> memref<40x128xi32, #tpu.memory_space<hbm>>
      %dma_wait3A_28 = arith.constant 0 : i32
      %dma_wait3A_29 = tpu.memref_slice %arg2[%run_scoped3A, %mul3A_4, %dma_wait3A_28] : memref<2x1280x128xi32, #tpu.memory_space<hbm>> -> memref<1x40x128xi32, #tpu.memory_space<hbm>>
      %dma_wait3A_30 = tpu.memref_squeeze %dma_wait3A_29 : memref<1x40x128xi32, #tpu.memory_space<hbm>> -> memref<40x128xi32, #tpu.memory_space<hbm>>
      tpu.wait_dma2 semaphore(%run_scoped3A_20 : memref<!tpu.dma_semaphore, #tpu.memory_space<semaphore_mem>>) src(%dma_wait3A_30 : memref<40x128xi32, #tpu.memory_space<hbm>>) dst(%arg6 : memref<40x128xi32, #tpu.memory_space<vmem>>)
      tpu.yield
    }) : () -> ()
    %mul3A_5 = arith.constant 40 : i32
    %mul3A_6 = arith.muli %add3A, %mul3A_5 : i32
    %run_scoped3A_7 = arith.constant 1 : i32
    "tpu.region"() ({
      %run_scoped3A_20 = tpu.sem_alloc : memref<!tpu.dma_semaphore, #tpu.memory_space<semaphore_mem>>
      %dma_start3A = arith.constant 0 : i32
      %dma_start3A_21 = tpu.memref_slice %arg2[%run_scoped3A_7, %mul3A_6, %dma_start3A] : memref<2x1280x128xi32, #tpu.memory_space<hbm>> -> memref<1x40x128xi32, #tpu.memory_space<hbm>>
      %dma_start3A_22 = tpu.memref_squeeze %dma_start3A_21 : memref<1x40x128xi32, #tpu.memory_space<hbm>> -> memref<40x128xi32, #tpu.memory_space<hbm>>
      %dma_start3A_23 = arith.constant 0 : i32
      %dma_start3A_24 = tpu.memref_slice %arg2[%run_scoped3A_7, %mul3A_6, %dma_start3A_23] : memref<2x1280x128xi32, #tpu.memory_space<hbm>> -> memref<1x40x128xi32, #tpu.memory_space<hbm>>
      %dma_start3A_25 = tpu.memref_squeeze %dma_start3A_24 : memref<1x40x128xi32, #tpu.memory_space<hbm>> -> memref<40x128xi32, #tpu.memory_space<hbm>>
      tpu.enqueue_dma source(%dma_start3A_25 : memref<40x128xi32, #tpu.memory_space<hbm>>) target(%arg7 : memref<40x128xi32, #tpu.memory_space<vmem>>) target_semaphore(%run_scoped3A_20 : memref<!tpu.dma_semaphore, #tpu.memory_space<semaphore_mem>>)
      %dma_wait3A = arith.constant 0 : i32
      %dma_wait3A_26 = tpu.memref_slice %arg2[%run_scoped3A_7, %mul3A_6, %dma_wait3A] : memref<2x1280x128xi32, #tpu.memory_space<hbm>> -> memref<1x40x128xi32, #tpu.memory_space<hbm>>
      %dma_wait3A_27 = tpu.memref_squeeze %dma_wait3A_26 : memref<1x40x128xi32, #tpu.memory_space<hbm>> -> memref<40x128xi32, #tpu.memory_space<hbm>>
      %dma_wait3A_28 = arith.constant 0 : i32
      %dma_wait3A_29 = tpu.memref_slice %arg2[%run_scoped3A_7, %mul3A_6, %dma_wait3A_28] : memref<2x1280x128xi32, #tpu.memory_space<hbm>> -> memref<1x40x128xi32, #tpu.memory_space<hbm>>
      %dma_wait3A_30 = tpu.memref_squeeze %dma_wait3A_29 : memref<1x40x128xi32, #tpu.memory_space<hbm>> -> memref<40x128xi32, #tpu.memory_space<hbm>>
      tpu.wait_dma2 semaphore(%run_scoped3A_20 : memref<!tpu.dma_semaphore, #tpu.memory_space<semaphore_mem>>) src(%dma_wait3A_30 : memref<40x128xi32, #tpu.memory_space<hbm>>) dst(%arg7 : memref<40x128xi32, #tpu.memory_space<vmem>>)
      tpu.yield
    }) : () -> ()
    %barrier3A = arith.constant 0 : index
    tpu.barrier barrier_id(%barrier3A)
    %scan3A = arith.constant 0 : i32
    %scan3A_8 = arith.constant 0 : i32
    %scan3A_9 = arith.constant 40 : i32
    %scan3A_10 = arith.addi %scan3A_8, %scan3A_9 : i32
    %scan3A_11 = arith.constant 1 : i32
    scf.for %scan3A_20 = %scan3A_8 to %scan3A_10 step %scan3A_11  : i32 {
      "tpu.region"() ({
        %run_scoped3A_21 = tpu.sem_alloc : memref<!tpu.dma_semaphore, #tpu.memory_space<semaphore_mem>>
        %dma_start3A = arith.constant 0 : i32
        %dma_start3A_22 = tpu.memref_slice %arg6[%scan3A_20, %dma_start3A] : memref<40x128xi32, #tpu.memory_space<vmem>> -> memref<1x128xi32, #tpu.memory_space<vmem>>
        %dma_start3A_23 = tpu.memref_squeeze %dma_start3A_22 : memref<1x128xi32, #tpu.memory_space<vmem>> -> memref<128xi32, #tpu.memory_space<vmem>>
        %dma_start3A_24 = arith.constant 0 : i32
        %dma_start3A_25 = arith.constant 0 : i32
        %dma_start3A_26 = tpu.memref_slice %arg9[%dma_start3A_24, %dma_start3A_25] : memref<10112x128xf32, #tpu.memory_space<vmem_shared>> -> memref<10112x128xf32, #tpu.memory_space<vmem_shared>>
        tpu.enqueue_indirect_dma source(%arg8 : memref<128x128xf32, #tpu.memory_space<vmem>>) target(%dma_start3A_26 : memref<10112x128xf32, #tpu.memory_space<vmem_shared>>) offsets(%dma_start3A_23 : memref<128xi32, #tpu.memory_space<vmem>>) semaphore(%run_scoped3A_21 : memref<!tpu.dma_semaphore, #tpu.memory_space<semaphore_mem>>) {add = true}
        %dma_wait3A = arith.constant 0 : i32
        %dma_wait3A_27 = tpu.memref_slice %arg6[%scan3A_20, %dma_wait3A] : memref<40x128xi32, #tpu.memory_space<vmem>> -> memref<1x128xi32, #tpu.memory_space<vmem>>
        %dma_wait3A_28 = tpu.memref_squeeze %dma_wait3A_27 : memref<1x128xi32, #tpu.memory_space<vmem>> -> memref<128xi32, #tpu.memory_space<vmem>>
        %dma_wait3A_29 = arith.constant 0 : i32
        %dma_wait3A_30 = arith.constant 0 : i32
        %dma_wait3A_31 = tpu.memref_slice %arg9[%dma_wait3A_29, %dma_wait3A_30] : memref<10112x128xf32, #tpu.memory_space<vmem_shared>> -> memref<10112x128xf32, #tpu.memory_space<vmem_shared>>
        tpu.wait_indirect_dma semaphore(%run_scoped3A_21 : memref<!tpu.dma_semaphore, #tpu.memory_space<semaphore_mem>>) src(%arg8 : memref<128x128xf32, #tpu.memory_space<vmem>>) dst(%dma_wait3A_31 : memref<10112x128xf32, #tpu.memory_space<vmem_shared>>)
        tpu.yield
      }) : () -> ()
    }
    %scan3A_12 = arith.constant 40 : i32
    %scan3A_13 = arith.constant 0 : i32
    %scan3A_14 = arith.constant 0 : i32
    %scan3A_15 = arith.constant 40 : i32
    %scan3A_16 = arith.addi %scan3A_14, %scan3A_15 : i32
    %scan3A_17 = arith.constant 1 : i32
    scf.for %scan3A_20 = %scan3A_14 to %scan3A_16 step %scan3A_17  : i32 {
      "tpu.region"() ({
        %run_scoped3A_21 = tpu.sem_alloc : memref<!tpu.dma_semaphore, #tpu.memory_space<semaphore_mem>>
        %dma_start3A = arith.constant 0 : i32
        %dma_start3A_22 = tpu.memref_slice %arg7[%scan3A_20, %dma_start3A] : memref<40x128xi32, #tpu.memory_space<vmem>> -> memref<1x128xi32, #tpu.memory_space<vmem>>
        %dma_start3A_23 = tpu.memref_squeeze %dma_start3A_22 : memref<1x128xi32, #tpu.memory_space<vmem>> -> memref<128xi32, #tpu.memory_space<vmem>>
        %dma_start3A_24 = arith.constant 0 : i32
        %dma_start3A_25 = arith.constant 0 : i32
        %dma_start3A_26 = tpu.memref_slice %arg9[%dma_start3A_24, %dma_start3A_25] : memref<10112x128xf32, #tpu.memory_space<vmem_shared>> -> memref<10112x128xf32, #tpu.memory_space<vmem_shared>>
        tpu.enqueue_indirect_dma source(%arg8 : memref<128x128xf32, #tpu.memory_space<vmem>>) target(%dma_start3A_26 : memref<10112x128xf32, #tpu.memory_space<vmem_shared>>) offsets(%dma_start3A_23 : memref<128xi32, #tpu.memory_space<vmem>>) semaphore(%run_scoped3A_21 : memref<!tpu.dma_semaphore, #tpu.memory_space<semaphore_mem>>) {add = true}
        %dma_wait3A = arith.constant 0 : i32
        %dma_wait3A_27 = tpu.memref_slice %arg7[%scan3A_20, %dma_wait3A] : memref<40x128xi32, #tpu.memory_space<vmem>> -> memref<1x128xi32, #tpu.memory_space<vmem>>
        %dma_wait3A_28 = tpu.memref_squeeze %dma_wait3A_27 : memref<1x128xi32, #tpu.memory_space<vmem>> -> memref<128xi32, #tpu.memory_space<vmem>>
        %dma_wait3A_29 = arith.constant 0 : i32
        %dma_wait3A_30 = arith.constant 0 : i32
        %dma_wait3A_31 = tpu.memref_slice %arg9[%dma_wait3A_29, %dma_wait3A_30] : memref<10112x128xf32, #tpu.memory_space<vmem_shared>> -> memref<10112x128xf32, #tpu.memory_space<vmem_shared>>
        tpu.wait_indirect_dma semaphore(%run_scoped3A_21 : memref<!tpu.dma_semaphore, #tpu.memory_space<semaphore_mem>>) src(%arg8 : memref<128x128xf32, #tpu.memory_space<vmem>>) dst(%dma_wait3A_31 : memref<10112x128xf32, #tpu.memory_space<vmem_shared>>)
        tpu.yield
      }) : () -> ()
    }
    %scan3A_18 = arith.constant 40 : i32
    %barrier3A_19 = arith.constant 0 : index
    tpu.barrier barrier_id(%barrier3A_19)
    "tpu.region"() ({
      %run_scoped3A_20 = tpu.sem_alloc : memref<!tpu.dma_semaphore, #tpu.memory_space<semaphore_mem>>
      %dma_start3A = arith.constant 0 : i32
      %dma_start3A_21 = tpu.memref_slice %arg5[%arg0, %mul3A_2, %dma_start3A] : memref<2x10112x128xf32, #tpu.memory_space<hbm>> -> memref<1x632x128xf32, #tpu.memory_space<hbm>>
      %dma_start3A_22 = tpu.memref_squeeze %dma_start3A_21 : memref<1x632x128xf32, #tpu.memory_space<hbm>> -> memref<632x128xf32, #tpu.memory_space<hbm>>
      %dma_start3A_23 = arith.constant 0 : i32
      %dma_start3A_24 = tpu.memref_slice %arg9[%mul3A_2, %dma_start3A_23] : memref<10112x128xf32, #tpu.memory_space<vmem_shared>> -> memref<632x128xf32, #tpu.memory_space<vmem_shared>>
      tpu.enqueue_dma source(%dma_start3A_24 : memref<632x128xf32, #tpu.memory_space<vmem_shared>>) target(%dma_start3A_22 : memref<632x128xf32, #tpu.memory_space<hbm>>) target_semaphore(%run_scoped3A_20 : memref<!tpu.dma_semaphore, #tpu.memory_space<semaphore_mem>>)
      %dma_wait3A = arith.constant 0 : i32
      %dma_wait3A_25 = tpu.memref_slice %arg5[%arg0, %mul3A_2, %dma_wait3A] : memref<2x10112x128xf32, #tpu.memory_space<hbm>> -> memref<1x632x128xf32, #tpu.memory_space<hbm>>
      %dma_wait3A_26 = tpu.memref_squeeze %dma_wait3A_25 : memref<1x632x128xf32, #tpu.memory_space<hbm>> -> memref<632x128xf32, #tpu.memory_space<hbm>>
      %dma_wait3A_27 = arith.constant 0 : i32
      %dma_wait3A_28 = tpu.memref_slice %arg9[%mul3A_2, %dma_wait3A_27] : memref<10112x128xf32, #tpu.memory_space<vmem_shared>> -> memref<632x128xf32, #tpu.memory_space<vmem_shared>>
      tpu.wait_dma2 semaphore(%run_scoped3A_20 : memref<!tpu.dma_semaphore, #tpu.memory_space<semaphore_mem>>) src(%dma_wait3A_28 : memref<632x128xf32, #tpu.memory_space<vmem_shared>>) dst(%dma_wait3A_26 : memref<632x128xf32, #tpu.memory_space<hbm>>)
      tpu.yield
    }) : () -> ()
    return
  }
}

module attributes {stable_mosaic.version = 14 : i64} {
  func.func @_tc1_body(%arg0: memref<10000x128xf32, #tpu.memory_space<vmem>>, %arg1: memref<128x128xf32, #tpu.memory_space<vmem>>, %arg2: memref<2x10112x128xf32, #tpu.memory_space<vmem>>, %arg3: memref<10000x128xf32, #tpu.memory_space<vmem>>, %arg4: memref<10112x16xf32, #tpu.memory_space<vmem>>) attributes {dimension_semantics = [], scalar_prefetch = 0 : i64, scratch_operands = 0 : i64, tpu.core_type = #tpu.core_type<tc>} {
    %get3A = arith.constant 0 : index
    %get3A_0 = arith.constant 0 : index
    %get3A_1 = arith.constant 0 : index
    %get3A_2 = vector.load %arg2[%get3A, %get3A_0, %get3A_1] : memref<2x10112x128xf32, #tpu.memory_space<vmem>>, vector<1x10112x16xf32>
    %get3A_3 = vector.shape_cast %get3A_2 : vector<1x10112x16xf32> to vector<10112x16xf32>
    %get3A_4 = arith.constant 1 : index
    %get3A_5 = arith.constant 0 : index
    %get3A_6 = arith.constant 0 : index
    %get3A_7 = vector.load %arg2[%get3A_4, %get3A_5, %get3A_6] : memref<2x10112x128xf32, #tpu.memory_space<vmem>>, vector<1x10112x16xf32>
    %get3A_8 = vector.shape_cast %get3A_7 : vector<1x10112x16xf32> to vector<10112x16xf32>
    %add3A = arith.addf %get3A_3, %get3A_8 : vector<10112x16xf32>
    %add3A_9 = arith.constant 1.000000e+00 : f32
    %add3A_10 = vector.broadcast %add3A_9 : f32 to vector<10112x16xf32>
    %add3A_11 = arith.addf %add3A, %add3A_10 : vector<10112x16xf32>
    %rsqrt3A = math.rsqrt %add3A_11 : vector<10112x16xf32>
    %swap3A = arith.constant 0 : index
    %swap3A_12 = arith.constant 0 : index
    %swap3A_13 = vector.load %arg4[%swap3A, %swap3A_12] : memref<10112x16xf32, #tpu.memory_space<vmem>>, vector<10112x16xf32>
    tpu.vector_store %arg4[%swap3A, %swap3A_12], %rsqrt3A {strides = array<i32>} : memref<10112x16xf32, #tpu.memory_space<vmem>>, vector<10112x16xf32>,
    %get3A_14 = arith.constant 0 : index
    %get3A_15 = arith.constant 0 : index
    %get3A_16 = vector.load %arg0[%get3A_14, %get3A_15] : memref<10000x128xf32, #tpu.memory_space<vmem>>, vector<10000x128xf32>
    %get3A_17 = arith.constant 0 : index
    %get3A_18 = arith.constant 0 : index
    %get3A_19 = vector.load %arg1[%get3A_17, %get3A_18] : memref<128x128xf32, #tpu.memory_space<vmem>>, vector<128x128xf32>
    %dot_general3A = arith.constant dense<0.000000e+00> : vector<10000x128xf32>
    %dot_general3A_20 = tpu.matmul %get3A_16, %get3A_19, %dot_general3A {dimension_numbers = #tpu.dot_dimension_numbers<[1], [0], [0], [1], [0, 0, 1, 1], [], []>, transpose_lhs_hint = false} : vector<10000x128xf32>, vector<128x128xf32>, vector<10000x128xf32> -> vector<10000x128xf32>
    %slice3A = vector.extract_strided_slice %rsqrt3A {offsets = [0, 0], sizes = [10000, 1], strides = [1, 1]} : vector<10112x16xf32> to vector<10000x1xf32>
    %mul3A = vector.broadcast %slice3A : vector<10000x1xf32> to vector<10000x128xf32>
    %mul3A_21 = arith.mulf %dot_general3A_20, %mul3A : vector<10000x128xf32>
    %swap3A_22 = arith.constant 0 : index
    %swap3A_23 = arith.constant 0 : index
    %swap3A_24 = vector.load %arg3[%swap3A_22, %swap3A_23] : memref<10000x128xf32, #tpu.memory_space<vmem>>, vector<10000x128xf32>
    tpu.vector_store %arg3[%swap3A_22, %swap3A_23], %mul3A_21 {strides = array<i32>} : memref<10000x128xf32, #tpu.memory_space<vmem>>, vector<10000x128xf32>,
    return
  }
}

module attributes {stable_mosaic.version = 14 : i64} {
  func.func @_tc2_body(%arg0: memref<2x10112x128xf32, #tpu.memory_space<vmem>>, %arg1: memref<10000x128xf32, #tpu.memory_space<vmem>>, %arg2: memref<10112x16xf32, #tpu.memory_space<vmem>>, %arg3: memref<1x128xf32, #tpu.memory_space<vmem>>, %arg4: memref<1x128xf32, #tpu.memory_space<vmem>>, %arg5: memref<1x128xf32, #tpu.memory_space<vmem>>, %arg6: memref<128x128xf32, #tpu.memory_space<vmem>>, %arg7: memref<10000x128xf32, #tpu.memory_space<vmem>>) attributes {dimension_semantics = [], scalar_prefetch = 0 : i64, scratch_operands = 0 : i64, tpu.core_type = #tpu.core_type<tc>} {
    %get3A = arith.constant 0 : index
    %get3A_0 = arith.constant 0 : index
    %get3A_1 = vector.load %arg2[%get3A, %get3A_0] : memref<10112x16xf32, #tpu.memory_space<vmem>>, vector<10112x1xf32>
    %slice3A = vector.extract_strided_slice %get3A_1 {offsets = [0, 0], sizes = [10000, 1], strides = [1, 1]} : vector<10112x1xf32> to vector<10000x1xf32>
    %get3A_2 = arith.constant 0 : index
    %get3A_3 = arith.constant 0 : index
    %get3A_4 = arith.constant 0 : index
    %get3A_5 = vector.load %arg0[%get3A_2, %get3A_3, %get3A_4] : memref<2x10112x128xf32, #tpu.memory_space<vmem>>, vector<1x10000x128xf32>
    %get3A_6 = vector.shape_cast %get3A_5 : vector<1x10000x128xf32> to vector<10000x128xf32>
    %get3A_7 = arith.constant 1 : index
    %get3A_8 = arith.constant 0 : index
    %get3A_9 = arith.constant 0 : index
    %get3A_10 = vector.load %arg0[%get3A_7, %get3A_8, %get3A_9] : memref<2x10112x128xf32, #tpu.memory_space<vmem>>, vector<1x10000x128xf32>
    %get3A_11 = vector.shape_cast %get3A_10 : vector<1x10000x128xf32> to vector<10000x128xf32>
    %add3A = arith.addf %get3A_6, %get3A_11 : vector<10000x128xf32>
    %get3A_12 = arith.constant 0 : index
    %get3A_13 = arith.constant 0 : index
    %get3A_14 = vector.load %arg1[%get3A_12, %get3A_13] : memref<10000x128xf32, #tpu.memory_space<vmem>>, vector<10000x128xf32>
    %add3A_15 = arith.addf %add3A, %get3A_14 : vector<10000x128xf32>
    %mul3A = vector.broadcast %slice3A : vector<10000x1xf32> to vector<10000x128xf32>
    %mul3A_16 = arith.mulf %add3A_15, %mul3A : vector<10000x128xf32>
    %get3A_17 = arith.constant 0 : index
    %get3A_18 = arith.constant 0 : index
    %get3A_19 = vector.load %arg3[%get3A_17, %get3A_18] : memref<1x128xf32, #tpu.memory_space<vmem>>, vector<1x128xf32>
    %add3A_20 = vector.broadcast %get3A_19 : vector<1x128xf32> to vector<10000x128xf32>
    %add3A_21 = arith.addf %mul3A_16, %add3A_20 : vector<10000x128xf32>
    %get3A_22 = arith.constant 0 : index
    %get3A_23 = arith.constant 0 : index
    %get3A_24 = vector.load %arg4[%get3A_22, %get3A_23] : memref<1x128xf32, #tpu.memory_space<vmem>>, vector<1x128xf32>
    %get3A_25 = arith.constant 0 : index
    %get3A_26 = arith.constant 0 : index
    %get3A_27 = vector.load %arg5[%get3A_25, %get3A_26] : memref<1x128xf32, #tpu.memory_space<vmem>>, vector<1x128xf32>
    %reduce_sum3A = arith.constant dense<0.000000e+00> : vector<128xf32>
    %reduce_sum3A_28 = vector.multi_reduction <add>, %add3A_21, %reduce_sum3A [0] : vector<10000x128xf32> to vector<128xf32>
    %broadcast_in_dim3A = vector.shape_cast %reduce_sum3A_28 : vector<128xf32> to vector<1x128xf32>
    %div3A = arith.constant 1.000000e+04 : f32
    %div3A_29 = vector.broadcast %div3A : f32 to vector<1x128xf32>
    %div3A_30 = arith.divf %broadcast_in_dim3A, %div3A_29 : vector<1x128xf32>
    %sub3A = vector.broadcast %div3A_30 : vector<1x128xf32> to vector<10000x128xf32>
    %sub3A_31 = arith.subf %add3A_21, %sub3A : vector<10000x128xf32>
    %mul3A_32 = arith.mulf %sub3A_31, %sub3A_31 : vector<10000x128xf32>
    %reduce_sum3A_33 = arith.constant dense<0.000000e+00> : vector<128xf32>
    %reduce_sum3A_34 = vector.multi_reduction <add>, %mul3A_32, %reduce_sum3A_33 [0] : vector<10000x128xf32> to vector<128xf32>
    %broadcast_in_dim3A_35 = vector.shape_cast %reduce_sum3A_34 : vector<128xf32> to vector<1x128xf32>
    %div3A_36 = arith.constant 1.000000e+04 : f32
    %div3A_37 = vector.broadcast %div3A_36 : f32 to vector<1x128xf32>
    %div3A_38 = arith.divf %broadcast_in_dim3A_35, %div3A_37 : vector<1x128xf32>
    %add3A_39 = arith.constant 9.99999974E-6 : f32
    %add3A_40 = vector.broadcast %add3A_39 : f32 to vector<1x128xf32>
    %add3A_41 = arith.addf %div3A_38, %add3A_40 : vector<1x128xf32>
    %rsqrt3A = math.rsqrt %add3A_41 : vector<1x128xf32>
    %mul3A_42 = vector.broadcast %rsqrt3A : vector<1x128xf32> to vector<10000x128xf32>
    %mul3A_43 = arith.mulf %sub3A_31, %mul3A_42 : vector<10000x128xf32>
    %mul3A_44 = vector.broadcast %get3A_24 : vector<1x128xf32> to vector<10000x128xf32>
    %mul3A_45 = arith.mulf %mul3A_43, %mul3A_44 : vector<10000x128xf32>
    %add3A_46 = vector.broadcast %get3A_27 : vector<1x128xf32> to vector<10000x128xf32>
    %add3A_47 = arith.addf %mul3A_45, %add3A_46 : vector<10000x128xf32>
    %max3A = arith.constant 0.000000e+00 : f32
    %max3A_48 = vector.broadcast %max3A : f32 to vector<10000x128xf32>
    %max3A_49 = arith.maximumf %add3A_47, %max3A_48 : vector<10000x128xf32>
    %get3A_50 = arith.constant 0 : index
    %get3A_51 = arith.constant 0 : index
    %get3A_52 = vector.load %arg6[%get3A_50, %get3A_51] : memref<128x128xf32, #tpu.memory_space<vmem>>, vector<128x128xf32>
    %dot_general3A = arith.constant dense<0.000000e+00> : vector<10000x128xf32>
    %dot_general3A_53 = tpu.matmul %max3A_49, %get3A_52, %dot_general3A {dimension_numbers = #tpu.dot_dimension_numbers<[1], [0], [0], [1], [0, 0, 1, 1], [], []>, transpose_lhs_hint = false} : vector<10000x128xf32>, vector<128x128xf32>, vector<10000x128xf32> -> vector<10000x128xf32>
    %mul3A_54 = vector.broadcast %slice3A : vector<10000x1xf32> to vector<10000x128xf32>
    %mul3A_55 = arith.mulf %dot_general3A_53, %mul3A_54 : vector<10000x128xf32>
    %swap3A = arith.constant 0 : index
    %swap3A_56 = arith.constant 0 : index
    %swap3A_57 = vector.load %arg7[%swap3A, %swap3A_56] : memref<10000x128xf32, #tpu.memory_space<vmem>>, vector<10000x128xf32>
    tpu.vector_store %arg7[%swap3A, %swap3A_56], %mul3A_55 {strides = array<i32>} : memref<10000x128xf32, #tpu.memory_space<vmem>>, vector<10000x128xf32>,
    return
  }
}

module attributes {stable_mosaic.version = 14 : i64} {
  func.func @_tc3_body(%arg0: memref<2x10112x128xf32, #tpu.memory_space<vmem>>, %arg1: memref<10000x128xf32, #tpu.memory_space<vmem>>, %arg2: memref<10112x16xf32, #tpu.memory_space<vmem>>, %arg3: memref<1x128xf32, #tpu.memory_space<vmem>>, %arg4: memref<1x128xf32, #tpu.memory_space<vmem>>, %arg5: memref<1x128xf32, #tpu.memory_space<vmem>>, %arg6: memref<1x128xf32, #tpu.memory_space<vmem>>, %arg7: memref<1x128xf32, #tpu.memory_space<vmem>>, %arg8: memref<128x40xf32, #tpu.memory_space<vmem>>, %arg9: memref<1x40xf32, #tpu.memory_space<vmem>>, %arg10: memref<10000x40xf32, #tpu.memory_space<vmem>>) attributes {dimension_semantics = [], scalar_prefetch = 0 : i64, scratch_operands = 0 : i64, tpu.core_type = #tpu.core_type<tc>} {
    %get3A = arith.constant 0 : index
    %get3A_0 = arith.constant 0 : index
    %get3A_1 = vector.load %arg2[%get3A, %get3A_0] : memref<10112x16xf32, #tpu.memory_space<vmem>>, vector<10112x1xf32>
    %slice3A = vector.extract_strided_slice %get3A_1 {offsets = [0, 0], sizes = [10000, 1], strides = [1, 1]} : vector<10112x1xf32> to vector<10000x1xf32>
    %get3A_2 = arith.constant 0 : index
    %get3A_3 = arith.constant 0 : index
    %get3A_4 = arith.constant 0 : index
    %get3A_5 = vector.load %arg0[%get3A_2, %get3A_3, %get3A_4] : memref<2x10112x128xf32, #tpu.memory_space<vmem>>, vector<1x10000x128xf32>
    %get3A_6 = vector.shape_cast %get3A_5 : vector<1x10000x128xf32> to vector<10000x128xf32>
    %get3A_7 = arith.constant 1 : index
    %get3A_8 = arith.constant 0 : index
    %get3A_9 = arith.constant 0 : index
    %get3A_10 = vector.load %arg0[%get3A_7, %get3A_8, %get3A_9] : memref<2x10112x128xf32, #tpu.memory_space<vmem>>, vector<1x10000x128xf32>
    %get3A_11 = vector.shape_cast %get3A_10 : vector<1x10000x128xf32> to vector<10000x128xf32>
    %add3A = arith.addf %get3A_6, %get3A_11 : vector<10000x128xf32>
    %get3A_12 = arith.constant 0 : index
    %get3A_13 = arith.constant 0 : index
    %get3A_14 = vector.load %arg1[%get3A_12, %get3A_13] : memref<10000x128xf32, #tpu.memory_space<vmem>>, vector<10000x128xf32>
    %add3A_15 = arith.addf %add3A, %get3A_14 : vector<10000x128xf32>
    %mul3A = vector.broadcast %slice3A : vector<10000x1xf32> to vector<10000x128xf32>
    %mul3A_16 = arith.mulf %add3A_15, %mul3A : vector<10000x128xf32>
    %get3A_17 = arith.constant 0 : index
    %get3A_18 = arith.constant 0 : index
    %get3A_19 = vector.load %arg3[%get3A_17, %get3A_18] : memref<1x128xf32, #tpu.memory_space<vmem>>, vector<1x128xf32>
    %add3A_20 = vector.broadcast %get3A_19 : vector<1x128xf32> to vector<10000x128xf32>
    %add3A_21 = arith.addf %mul3A_16, %add3A_20 : vector<10000x128xf32>
    %get3A_22 = arith.constant 0 : index
    %get3A_23 = arith.constant 0 : index
    %get3A_24 = vector.load %arg4[%get3A_22, %get3A_23] : memref<1x128xf32, #tpu.memory_space<vmem>>, vector<1x128xf32>
    %get3A_25 = arith.constant 0 : index
    %get3A_26 = arith.constant 0 : index
    %get3A_27 = vector.load %arg5[%get3A_25, %get3A_26] : memref<1x128xf32, #tpu.memory_space<vmem>>, vector<1x128xf32>
    %reduce_sum3A = arith.constant dense<0.000000e+00> : vector<128xf32>
    %reduce_sum3A_28 = vector.multi_reduction <add>, %add3A_21, %reduce_sum3A [0] : vector<10000x128xf32> to vector<128xf32>
    %broadcast_in_dim3A = vector.shape_cast %reduce_sum3A_28 : vector<128xf32> to vector<1x128xf32>
    %div3A = arith.constant 1.000000e+04 : f32
    %div3A_29 = vector.broadcast %div3A : f32 to vector<1x128xf32>
    %div3A_30 = arith.divf %broadcast_in_dim3A, %div3A_29 : vector<1x128xf32>
    %sub3A = vector.broadcast %div3A_30 : vector<1x128xf32> to vector<10000x128xf32>
    %sub3A_31 = arith.subf %add3A_21, %sub3A : vector<10000x128xf32>
    %mul3A_32 = arith.mulf %sub3A_31, %sub3A_31 : vector<10000x128xf32>
    %reduce_sum3A_33 = arith.constant dense<0.000000e+00> : vector<128xf32>
    %reduce_sum3A_34 = vector.multi_reduction <add>, %mul3A_32, %reduce_sum3A_33 [0] : vector<10000x128xf32> to vector<128xf32>
    %broadcast_in_dim3A_35 = vector.shape_cast %reduce_sum3A_34 : vector<128xf32> to vector<1x128xf32>
    %div3A_36 = arith.constant 1.000000e+04 : f32
    %div3A_37 = vector.broadcast %div3A_36 : f32 to vector<1x128xf32>
    %div3A_38 = arith.divf %broadcast_in_dim3A_35, %div3A_37 : vector<1x128xf32>
    %add3A_39 = arith.constant 9.99999974E-6 : f32
    %add3A_40 = vector.broadcast %add3A_39 : f32 to vector<1x128xf32>
    %add3A_41 = arith.addf %div3A_38, %add3A_40 : vector<1x128xf32>
    %rsqrt3A = math.rsqrt %add3A_41 : vector<1x128xf32>
    %mul3A_42 = vector.broadcast %rsqrt3A : vector<1x128xf32> to vector<10000x128xf32>
    %mul3A_43 = arith.mulf %sub3A_31, %mul3A_42 : vector<10000x128xf32>
    %mul3A_44 = vector.broadcast %get3A_24 : vector<1x128xf32> to vector<10000x128xf32>
    %mul3A_45 = arith.mulf %mul3A_43, %mul3A_44 : vector<10000x128xf32>
    %add3A_46 = vector.broadcast %get3A_27 : vector<1x128xf32> to vector<10000x128xf32>
    %add3A_47 = arith.addf %mul3A_45, %add3A_46 : vector<10000x128xf32>
    %max3A = arith.constant 0.000000e+00 : f32
    %max3A_48 = vector.broadcast %max3A : f32 to vector<10000x128xf32>
    %max3A_49 = arith.maximumf %add3A_47, %max3A_48 : vector<10000x128xf32>
    %reduce_sum3A_50 = arith.constant dense<0.000000e+00> : vector<128xf32>
    %reduce_sum3A_51 = vector.multi_reduction <add>, %max3A_49, %reduce_sum3A_50 [0] : vector<10000x128xf32> to vector<128xf32>
    %broadcast_in_dim3A_52 = vector.shape_cast %reduce_sum3A_51 : vector<128xf32> to vector<1x128xf32>
    %div3A_53 = arith.constant 1.000000e+04 : f32
    %div3A_54 = vector.broadcast %div3A_53 : f32 to vector<1x128xf32>
    %div3A_55 = arith.divf %broadcast_in_dim3A_52, %div3A_54 : vector<1x128xf32>
    %sub3A_56 = vector.broadcast %div3A_55 : vector<1x128xf32> to vector<10000x128xf32>
    %sub3A_57 = arith.subf %max3A_49, %sub3A_56 : vector<10000x128xf32>
    %mul3A_58 = arith.mulf %sub3A_57, %sub3A_57 : vector<10000x128xf32>
    %reduce_sum3A_59 = arith.constant dense<0.000000e+00> : vector<128xf32>
    %reduce_sum3A_60 = vector.multi_reduction <add>, %mul3A_58, %reduce_sum3A_59 [0] : vector<10000x128xf32> to vector<128xf32>
    %broadcast_in_dim3A_61 = vector.shape_cast %reduce_sum3A_60 : vector<128xf32> to vector<1x128xf32>
    %div3A_62 = arith.constant 1.000000e+04 : f32
    %div3A_63 = vector.broadcast %div3A_62 : f32 to vector<1x128xf32>
    %div3A_64 = arith.divf %broadcast_in_dim3A_61, %div3A_63 : vector<1x128xf32>
    %add3A_65 = arith.constant 9.99999974E-6 : f32
    %add3A_66 = vector.broadcast %add3A_65 : f32 to vector<1x128xf32>
    %add3A_67 = arith.addf %div3A_64, %add3A_66 : vector<1x128xf32>
    %rsqrt3A_68 = math.rsqrt %add3A_67 : vector<1x128xf32>
    %mul3A_69 = vector.broadcast %rsqrt3A_68 : vector<1x128xf32> to vector<10000x128xf32>
    %mul3A_70 = arith.mulf %sub3A_57, %mul3A_69 : vector<10000x128xf32>
    %get3A_71 = arith.constant 0 : index
    %get3A_72 = arith.constant 0 : index
    %get3A_73 = vector.load %arg6[%get3A_71, %get3A_72] : memref<1x128xf32, #tpu.memory_space<vmem>>, vector<1x128xf32>
    %mul3A_74 = vector.broadcast %get3A_73 : vector<1x128xf32> to vector<10000x128xf32>
    %mul3A_75 = arith.mulf %mul3A_70, %mul3A_74 : vector<10000x128xf32>
    %get3A_76 = arith.constant 0 : index
    %get3A_77 = arith.constant 0 : index
    %get3A_78 = vector.load %arg7[%get3A_76, %get3A_77] : memref<1x128xf32, #tpu.memory_space<vmem>>, vector<1x128xf32>
    %add3A_79 = vector.broadcast %get3A_78 : vector<1x128xf32> to vector<10000x128xf32>
    %add3A_80 = arith.addf %mul3A_75, %add3A_79 : vector<10000x128xf32>
    %get3A_81 = arith.constant 0 : index
    %get3A_82 = arith.constant 0 : index
    %get3A_83 = vector.load %arg8[%get3A_81, %get3A_82] : memref<128x40xf32, #tpu.memory_space<vmem>>, vector<128x40xf32>
    %dot_general3A = arith.constant dense<0.000000e+00> : vector<10000x40xf32>
    %dot_general3A_84 = tpu.matmul %add3A_80, %get3A_83, %dot_general3A {dimension_numbers = #tpu.dot_dimension_numbers<[1], [0], [0], [1], [0, 0, 1, 1], [], []>, transpose_lhs_hint = false} : vector<10000x128xf32>, vector<128x40xf32>, vector<10000x40xf32> -> vector<10000x40xf32>
    %get3A_85 = arith.constant 0 : index
    %get3A_86 = arith.constant 0 : index
    %get3A_87 = vector.load %arg9[%get3A_85, %get3A_86] : memref<1x40xf32, #tpu.memory_space<vmem>>, vector<1x40xf32>
    %add3A_88 = vector.broadcast %get3A_87 : vector<1x40xf32> to vector<10000x40xf32>
    %add3A_89 = arith.addf %dot_general3A_84, %add3A_88 : vector<10000x40xf32>
    %reduce_max3A = arith.constant dense<0xFF800000> : vector<10000xf32>
    %reduce_max3A_90 = vector.multi_reduction <maximumf>, %add3A_89, %reduce_max3A [1] : vector<10000x40xf32> to vector<10000xf32>
    %broadcast_in_dim3A_91 = vector.shape_cast %reduce_max3A_90 : vector<10000xf32> to vector<10000x1xf32>
    %sub3A_92 = vector.broadcast %broadcast_in_dim3A_91 : vector<10000x1xf32> to vector<10000x40xf32>
    %sub3A_93 = arith.subf %add3A_89, %sub3A_92 : vector<10000x40xf32>
    %exp3A = math.exp %sub3A_93 : vector<10000x40xf32>
    %reduce_sum3A_94 = arith.constant dense<0.000000e+00> : vector<10000xf32>
    %reduce_sum3A_95 = vector.multi_reduction <add>, %exp3A, %reduce_sum3A_94 [1] : vector<10000x40xf32> to vector<10000xf32>
    %broadcast_in_dim3A_96 = vector.shape_cast %reduce_sum3A_95 : vector<10000xf32> to vector<10000x1xf32>
    %log3A = math.log %broadcast_in_dim3A_96 : vector<10000x1xf32>
    %add3A_97 = arith.addf %broadcast_in_dim3A_91, %log3A : vector<10000x1xf32>
    %sub3A_98 = vector.broadcast %add3A_97 : vector<10000x1xf32> to vector<10000x40xf32>
    %sub3A_99 = arith.subf %add3A_89, %sub3A_98 : vector<10000x40xf32>
    %swap3A = arith.constant 0 : index
    %swap3A_100 = arith.constant 0 : index
    %swap3A_101 = vector.load %arg10[%swap3A, %swap3A_100] : memref<10000x40xf32, #tpu.memory_space<vmem>>, vector<10000x40xf32>
    tpu.vector_store %arg10[%swap3A, %swap3A_100], %sub3A_99 {strides = array<i32>} : memref<10000x40xf32, #tpu.memory_space<vmem>>, vector<10000x40xf32>,
    return
  }
}

</mosaic_0001>

<sc_bundles>
// kernel: kernel.11.cloned.1.call-start
scs
__scs_entry_jumppad:
0x0: {  	(pc) =	sbr.rel $0x88, $3  }
0x1: {  	(tag) =	ssettag $0x0;
	lr =	simm.s32 $0x1  }
0x2: {  	[smem:$0x3F93] =	sst lr;
	_ =	strace $0xD0000000  }
0x3: {  	_ = 	snop  }
0x4: {  	_ = 	snop  }
0x5: {  	_ = 	snop  }
0x6: {  	_ = 	snop  }
0x7: {  	_ = 	snop  }
__scs_overlays_trampoline_lowered:
0x8: {  	[smem:$0x3FA2] =	sst s0  }
0x9: {  	[smem:$0x3FA3] =	sst s1  }
0xa: {  	[smem:$0x3FA4] =	sst s2  }
0xb: {  	[smem:$0x3FA5] =	sst s3  }
0xc: {  	[smem:$0x3FA6] =	sst s4  }
0xd: {  	[smem:$0x3FA7] =	sst s5  }
0xe: {  	[smem:$0x3FA8] =	sst s6  }
0xf: {  	[smem:$0x3FA9] =	sst s7  }
0x10: {  	[smem:$0x3FAA] =	sst s8  }
0x11: {  	[smem:$0x3FAB] =	sst s9;
	s0 =	simm.s32 @!p0 $0x0  }
0x12: {  	s1 =	sld [smem:$0x3F91];
	s0 =	simm.s32 @p0 $0x1  }
0x13: {  	[smem:$0x3FAC] =	sst s0;
	s0 =	simm.s32 @!p1 $0x0  }
0x14: {  	s2 =	sld [smem:$0x3F90];
	s0 =	simm.s32 @p1 $0x1  }
0x15: {  	[smem:$0x3FAD] =	sst s0;
	s0 =	simm.s32 @!p2 $0x0  }
0x16: {  	s3 =	sld [smem:$0x3FDB];
	s0 =	simm.s32 @p2 $0x1  }
0x17: {  	s4 =	simm.s32 $0x1BF5;
	[smem:$0x3FAF] =	sst s0  }
0x18: {  	s0 =	sld [smem:$0x3F92];
	_ =	swait.ge [sflag:s4], $0x0  }
0x19: {  	s7 =	sld [smem:$0x3F93]  }
0x1a: {  	s8 =	sadd.s32 $0xFFFFE003, lr  }
0x1b: {  	s9 =	sadd.s32 $0xFFFFFEF7, lr;
	s5 =	simm.s32 $0xFFFFFFFF;
	p2 =	slt.u32 s8, $0xFFFFF086  }
0x1c: {  	p1 =	slt.u32 s9, $0xF7A;
	s5 =	simm.s32 @!p2 $0x0  }
0x1d: {  	s5 =	simm.s32 @p1 $0x1;
	p0 =	seq.s32 s7, s2  }
0x1e: {  	s7 =	smul.u32 @!p0 $0xF7A, s2;
	p2 =	seq.s32 @!p0 s5, $0x0  }
0x1f: {  	s9 =	smul.u32 $0xF7A, s1;
	s8 =	simm.s32 @!p0 $0x1BF5;
	p2 =	por !p2, p0  }
0x20: {  	[sflag:s8] =	ssyncset.s32 @!p0 $0xFFFFF086;
	s6 =	sadd.s32 @!p0 s3, s7;
	s7 =	simm.s32 @!p0 $0x108  }
0x21: {  	s3 =	sadd.s32 s3, s9;
	s6 =	sadd.s32 @!p0 $0x88, s6;
	s7 =	simm.s32 @p2 $0x1082  }
0x22: {  	[simem:s7], [sflag:s8] =	dma.local @!p0 [hbm:s6], $0xF7A  }
0x23: {  	s9 =	sor.u32 $0xD0000000, s2;
	s6 =	simm.s32 $0x108;
	_ =	swait.ge @!p0 [sflag:s8], $0x0  }
0x24: {  	s3 =	sadd.s32 $0x88, s3;
	s6 =	simm.s32 @!p1 $0x1082;
	[sflag:s4] =	ssyncset.s32 $0xFFFFF086  }
0x25: {  	[simem:s6], [sflag:s4] =	dma.local [hbm:s3], $0xF7A  }
0x26: {  	[smem:$0x3F93] =	sst s1;
	(tag) =	ssettag s2;
	_ =	strace s9  }
0x27: {  	s1 =	sld [smem:$0x3FA3]  }
0x28: {  	s2 =	sld [smem:$0x3FA4]  }
0x29: {  	s4 =	sld [smem:$0x3FA6]  }
0x2a: {  	p0 =	seq.s32 s5, $0x0;
	s5 =	sld [smem:$0x3FA7]  }
0x2b: {  	s6 =	sld [smem:$0x3FA8]  }
0x2c: {  	s7 =	sld [smem:$0x3FA9]  }
0x2d: {  	s3 =	simm.s32 $0x108;
	s8 =	sld [smem:$0x3FAA]  }
0x2e: {  	s3 =	simm.s32 @!p0 $0x1082;
	s9 =	sld [smem:$0x3FAB]  }
0x2f: {  	lr =	sadd.s32 s0, s3;
	s0 =	sld [smem:$0x3FA2]  }
0x30: {  	s3 =	sld [smem:$0x3FA5]  }
0x31: {  	[smem:$0x3FAE] =	sst s10  }
0x32: {  	s10 =	sld [smem:$0x3FAC];
	_ =	sdelay $0x3  }
0x33: {  	p0 =	seq.s32 s10, $0x1;
	s10 =	sld [smem:$0x3FAE];
	_ =	sdelay $0x3  }
0x34: {  	[smem:$0x3FAE] =	sst s10  }
0x35: {  	s10 =	sld [smem:$0x3FAD];
	_ =	sdelay $0x3  }
0x36: {  	p1 =	seq.s32 s10, $0x1;
	s10 =	sld [smem:$0x3FAE];
	_ =	sdelay $0x3  }
0x37: {  	[smem:$0x3FAE] =	sst s10  }
0x38: {  	s10 =	sld [smem:$0x3FAF]  }
0x39: {  	_ = 	snop;
	(pc) =	sbr.ind lr, $3  }
0x3a: {  	_ = 	snop  }
0x3b: {  	_ = 	snop  }
0x3c: {  	p2 =	seq.s32 s10, $0x1;
	s10 =	sld [smem:$0x3FAE]  }
0x3d: {  	_ =	shalt  }
0x3e: {  	_ =	shalt  }
0x3f: {  	_ =	shalt  }
0x40: {  	_ =	shalt  }
0x41: {  	_ =	shalt  }
0x42: {  	_ =	shalt  }
0x43: {  	_ =	shalt  }
0x44: {  	_ =	shalt  }
0x45: {  	_ =	shalt  }
0x46: {  	_ =	shalt  }
0x47: {  	_ =	shalt  }
0x48: {  	_ =	shalt  }
0x49: {  	_ =	shalt  }
0x4a: {  	_ =	shalt  }
0x4b: {  	_ =	shalt  }
0x4c: {  	_ =	shalt  }
0x4d: {  	_ =	shalt  }
0x4e: {  	_ =	shalt  }
0x4f: {  	_ =	shalt  }
0x50: {  	_ =	shalt  }
0x51: {  	_ =	shalt  }
0x52: {  	_ =	shalt  }
0x53: {  	_ =	shalt  }
0x54: {  	_ =	shalt  }
0x55: {  	_ =	shalt  }
0x56: {  	_ =	shalt  }
0x57: {  	_ =	shalt  }
0x58: {  	_ =	shalt  }
0x59: {  	_ =	shalt  }
0x5a: {  	_ =	shalt  }
0x5b: {  	_ =	shalt  }
0x5c: {  	_ =	shalt  }
0x5d: {  	_ =	shalt  }
0x5e: {  	_ =	shalt  }
0x5f: {  	_ =	shalt  }
0x60: {  	_ =	shalt  }
0x61: {  	_ =	shalt  }
0x62: {  	_ =	shalt  }
0x63: {  	_ =	shalt  }
0x64: {  	_ =	shalt  }
0x65: {  	_ =	shalt  }
0x66: {  	_ =	shalt  }
0x67: {  	_ =	shalt  }
0x68: {  	_ =	shalt  }
0x69: {  	_ =	shalt  }
0x6a: {  	_ =	shalt  }
0x6b: {  	_ =	shalt  }
0x6c: {  	_ =	shalt  }
0x6d: {  	_ =	shalt  }
0x6e: {  	_ =	shalt  }
0x6f: {  	_ =	shalt  }
0x70: {  	_ =	shalt  }
0x71: {  	_ =	shalt  }
0x72: {  	_ =	shalt  }
0x73: {  	_ =	shalt  }
0x74: {  	_ =	shalt  }
0x75: {  	_ =	shalt  }
0x76: {  	_ =	shalt  }
0x77: {  	_ =	shalt  }
0x78: {  	_ =	shalt  }
0x79: {  	_ =	shalt  }
0x7a: {  	_ =	shalt  }
0x7b: {  	_ =	shalt  }
0x7c: {  	_ =	shalt  }
0x7d: {  	_ =	shalt  }
0x7e: {  	_ =	shalt  }
0x7f: {  	_ =	shalt  }
0x80: {  	_ =	shalt  }
0x81: {  	_ =	shalt  }
0x82: {  	_ =	shalt  }
0x83: {  	_ =	shalt  }
0x84: {  	_ =	shalt  }
0x85: {  	_ =	shalt  }
0x86: {  	_ =	shalt  }
0x87: {  	_ =	shalt  }
.Lfunc_end0:
.L_simem_size_0:
called_computation.1_lowered:
.L_overlay_start_0:
0x88: {  	s2 =	sld [smem:$0x3FD9]  }
0x89: {  	s3 =	sld [smem:$0x3FFE];
	_ =	sdelay $0x1  }
0x8a: {  	s1 =	srdreg.scid  }
0x8b: {  	s0 =	sand.u32 $0x1, s1  }
0x8c: {  	s17 =	sshll.u32 s0, $0xA;
	s2 =	sadd.s32 s3, s2  }
0x8d: {  	s2 =	sadd.s32 s2, s17  }
0x8e: {  	[smem:$0x3FBA] =	sst s2  }
0x8f: {  	_ = 	snop  }
0x90: {  	s2 =	sld [smem:$0x3FD0];
	(tm) =	ssettm $0x1  }
0x91: {  	s18 =	sld [smem:$0x3FFB];
	_ =	sdelay $0x3  }
0x92: {  	_ =	strace s18  }
0x93: {  	s3 =	sld [smem:$0x3FFC];
	_ =	sdelay $0x3  }
0x94: {  	_ =	strace s3  }
0x95: {  	s3 =	sld [smem:$0x3FFD];
	_ =	sdelay $0x3  }
0x96: {  	_ =	strace s3  }
0x97: {  	_ =	strace $0x8FFFFFFF  }
0x98: {  	s19 =	sld [smem:$0x3FDB];
	_ =	sdelay $0x1  }
0x99: {  	s4 =	simm.s32 $_scs_section_size  }
0x9a: {  	s5 =	simm.s32 $_size__tile_overlayer_lowered;
	s6 =	simm.s32 $_tile_overlayer_lowered  }
0x9b: {  	s22 =	simm.s32 $0x1BFF;
	s21 =	sshll.u32 s6, $0x1;
	s3 =	sadd.s32 s4, s19  }
0x9c: {  	s7 =	simm.s32 $0x0;
	s20 =	sshll.u32 s5, $0x1;
	s5 =	sadd.s32 s21, s3  }
0x9d: {  	[timem:s7], [sflag:s22] =	dma.local [hbm:s5], s20  }
0x9e: {  	_ =	swait.ge [sflag:s22], s20  }
0x9f: {  	s4 =	ssub.s32 $0x0, s20;
	[sflag:s22] =	ssyncset.done $0x0  }
0xa0: {  	[sflag:s22] =	ssyncadd.s32 s4;
	_ =	sdelay $0x1  }
0xa1: {  	s23 =	simm.s32 $0x1B8B  }
0xa2: {  	_ =	swait.ge [sflag:s23], $0x1  }
0xa3: {  	[sflag:s23] =	ssyncset.done $0x0  }
0xa4: {  	s25 =	simm.s32 $0x1B8E;
	s24 =	sld [smem:$0x3FFE];
	[sflag:s23] =	ssyncadd.s32 $0xFFFFFFFF  }
0xa5: {  	s26 =	simm.s32 $execute0_lowered;
	[smem:$0x3FD2] =	sst s25  }
0xa6: {  	s5 =	sshll.u32 s26, $0x1;
	_ =	strace $0x80000049;
	[dreg:$0x1] =	wrdreg $0xFFFFFFFF  }
0xa7: {  	s28 =	simm.s32 $_size_execute0_lowered;
	s3 =	sadd.s32 s3, s5;
	[dreg:$0x0] =	wrdreg $0x0  }
0xa8: {  	s5 =	sshll.u32 s28, $0x1;
	[dreg:$0x2] =	wrdreg s3  }
0xa9: {  	[dreg:$0x3] =	wrdreg s5  }
0xaa: {  	[dreg:$0x4] =	wrdreg $0xC0  }
0xab: {  	_ =	task [dreg:s7], $0x5FFFF  }
0xac: {  	[dreg:$0x1] =	wrdreg $0xFFFFFFFF  }
0xad: {  	[dreg:$0x0] =	wrdreg $0x60  }
0xae: {  	[dreg:$0x2] =	wrdreg s2  }
0xaf: {  	[dreg:$0x3] =	wrdreg s24  }
0xb0: {  	[dreg:$0x4] =	wrdreg $0xBC000  }
0xb1: {  	[dreg:$0x5] =	wrdreg $0x9  }
0xb2: {  	_ =	task.clear_ibuf [dreg:s7], $0x6FFFF;
	_ =	strace $0x90000049  }
0xb3: {  	s29 =	simm.s32 $0x9;
	_ =	strace $0x8000004B  }
0xb4: {  	_ =	swait.ge [sflag:s29], $0x1  }
0xb5: {  	[sflag:s29] =	ssyncadd.s32 $0xFFFFFFFF  }
0xb6: {  	_ =	strace $0x9000004B  }
0xb7: {  	_ =	sfence  }
0xb8: {  	s30 =	sld [smem:$0x0];
	_ =	sdelay $0x2  }
0xb9: {  	s31 =	sshll.u32 s1, $0xD;
	s1 =	sshrl.u32 s1, $0x2  }
0xba: {  	s3 =	sand.u32 $0x4000, s31;
	s1 =	sadd.s32 s1, s30  }
0xbb: {  	s0 =	sor.u32 s3, s0;
	s1 =	sshll.u32 s1, $0x11  }
0xbc: {  	s0 =	sor.u32 s1, s0  }
0xbd: {  	s0 =	sadd.s32 $0x8F2B, s0  }
0xbe: {  	[sflag:s0] =	ssyncadd.remote.s32 $0x1  }
0xbf: {  	_ =	sfence.sel $0xFFFF  }
0xc0: {  	[dreg:$0x0] =	wrdreg $0xFFFFFFFF;
	(pc) =	sbr.abs _section_cstart, $3  }
0xc1: {  	[dreg:$0x1] =	wrdreg $0xFFFFFFFF  }
0xc2: {  	_ =	task.clear_ibuf [dreg:s7], $0x2FFFF;
	_ =	strace $0x9FFFFFFF  }
0xc3: {  	(tm) =	ssettm $0x7FFFFFFF  }
tec
execute0_lowered:
.L_overlay_start_1:
0x0: {  	(tag) =	ssettag $0x1  }
0x1: {  	s10 =	rddreg [dreg:$0x0]  }
0x2: {  	s5 =	rddreg [dreg:$0x1]  }
0x3: {  	s2 =	rddreg [dreg:$0x2]  }
0x4: {  	s0 =	rddreg [dreg:$0x3];
	s3 =	simm.s32 $0x0;
	s1 =	stileid.u32  }
0x5: {  	s4 =	srdreg.scid;
	s16 =	simm.s32 $0x2800;
	s17 =	simm.s32 $0x80  }
0x6: {  	s18 =	simm.s32 $0x3C00;
	s19 =	simm.s32 $0x1;
	s20 =	simm.s32 $0x7C00  }
0x7: {  	s21 =	simm.s32 $0x2;
	s22 =	simm.s32 $0x1380;
	s23 =	simm.s32 $0x2700  }
0x8: {  	s24 =	simm.s32 $0x2780;
	s28 =	simm.s32 $0x0;
	[smem:$0x7FF] =	sst s3  }
0x9: {  	s6 =	smul.u32 $0x13C00, s1;
	s7 =	sand.u32 $0x1, s4;
	s9 =	sadd.s32 $0x3600, s5  }
0xa: {  	s4 =	sadd.s32 $0x34E00, s5;
	s25 =	sshll.u32 s1, $0x1;
	s13 =	smul.u32 $0x4F000, s1  }
0xb: {  	s30 =	sshll.u32 s1, $0x6;
	_ =	strace $0x8000004A;
	s8 =	smul.u32 $0x13C000, s7  }
0xc: {  	s12 =	ssub.s32 $0x2, s7;
	s7 =	sor.u32 s7, s25;
	s25 =	simm.s32 $0x3B00  }
0xd: {  	s11 =	sshrl.u32 s6, $0x3;
	s26 =	sshrl.u32 s12, $0x1;
	s7 =	smul.u32 $0x1400, s7  }
0xe: {  	s29 =	sshrl.u32 s13, $0x2;
	s11 =	sadd.s32 s11, s5;
	s6 =	sadd.s32 s6, s8  }
0xf: {  	s12 =	ssub.s32 s12, s26;
	s13 =	sadd.s32 s29, s2;
	s26 =	simm.s32 $0x3B80  }
0x10: {  	s6 =	sshrl.u32 s6, $0x3;
	s15 =	sshrl.u32 s7, $0x3;
	s12 =	smax.u32 s12, $0x1  }
0x11: {  	s13 =	sshrl.u32 s13, $0x3;
	s14 =	sadd.s32 s6, s5;
	s5 =	sadd.s32 $0xD600, s11  }
0x12: {  	s6 =	sor.u32 $0x1C03, s30;
	s31 =	sadd.s32 $0x5000, s15;
	s7 =	sadd.s32 s9, s15  }
0x13: {  	s8 =	sadd.s32 s9, s31;
	s9 =	sadd.s32 s10, s15;
	s10 =	sadd.s32 s10, s31  }
0x14: {  	s11 =	sadd.s32 $0x5C000, s14;
	s14 =	simm.s32 $0x3;
	s15 =	simm.s32 $0x1400  }
.LBB2_1:
0x15: {  	[spmem:s13], [sflag:s6] =	dma.local [hbm:s5], $0x2780  }
0x16: {  	_ =	swait.ge [sflag:s14], $0x2780  }
0x17: {  	[sflag:s14] =	ssyncset.done $0x0  }
0x18: {  	[sflag:s14] =	ssyncadd.s32 $0xFFFFD880  }
0x19: {  	[tilespmem:s15], [sflag:$0x3] =	stream.linear.gather [hbm4b:s7+s3], $0x1400, $0x38;
	[tilespmem:$0x1F800] =	vst v63  }
0x1a: {  	_ =	swait.ge [sflag:s14], $0x1400  }
0x1b: {  	[sflag:s14] =	ssyncset.done $0x0  }
0x1c: {  	[sflag:s14] =	ssyncadd.s32 $0xFFFFEC00  }
0x1d: {  	[tilespmem:s16], [sflag:$0x3] =	stream.linear.gather [hbm4b:s8+s3], $0x1400, $0x38;
	[tilespmem:$0x1F800] =	vst v63  }
0x1e: {  	_ =	swait.ge [sflag:s14], $0x1400  }
0x1f: {  	[sflag:s14] =	ssyncset.done $0x0  }
0x20: {  	[sflag:s14] =	ssyncadd.s32 $0xFFFFEC00  }
0x21: {  	[tilespmem:s3], [sflag:$0x3] =	stream.linear.gather [hbm4b:s9+s3], $0x1400, $0x38;
	[tilespmem:$0x1F800] =	vst v63  }
0x22: {  	_ =	swait.ge [sflag:s14], $0x1400  }
0x23: {  	[sflag:s14] =	ssyncset.done $0x0  }
0x24: {  	[sflag:s14] =	ssyncadd.s32 $0xFFFFEC00  }
0x25: {  	[bflag:$0x0] =	sbarrier.arrive $0xFFFF  }
0x26: {  	[tilespmem:s18], [sflag:$0x1] =	stream.indirect.gather [hbm4b:s4+s17], $0x80, s3, s17, $0xb8;
	[tilespmem:$0x1F800] =	vst v63  }
0x27: {  	_ =	swait.ge [sflag:s19], $0x4000  }
0x28: {  	[sflag:s19] =	ssyncset.done $0x0  }
0x29: {  	s29 =	simm.s32 $0x80;
	[sflag:s19] =	ssyncadd.s32 $0xFFFFC000  }
0x2a: {  	[tilespmem:s20], [sflag:$0x2] =	stream.indirect.gather [hbm4b:s4+s17], $0x80, s29, s17, $0xb8;
	[tilespmem:$0x1F800] =	vst v63  }
0x2b: {  	s29 =	simm.s32 $0x1400  }
0x2c: {  	[spmem:s2] =	stream.indirect.scatter.add.f32 [tilespmem:s18], [sflag:$0x3], $0x80, s29, s17, $0xb8;
	[tilespmem:$0x1F800] =	vst v63  }
0x2d: {  	_ =	swait.ge [sflag:s14], $0x4000  }
0x2e: {  	[sflag:s14] =	ssyncset.done $0x0  }
0x2f: {  	[sflag:s14] =	ssyncadd.s32 $0xFFFFC000  }
0x30: {  	_ =	swait.ge [sflag:s21], $0x4000  }
0x31: {  	[sflag:s21] =	ssyncset.done $0x0  }
0x32: {  	s29 =	simm.s32 $0x100;
	[sflag:s21] =	ssyncadd.s32 $0xFFFFC000  }
0x33: {  	[tilespmem:s18], [sflag:$0x1] =	stream.indirect.gather [hbm4b:s4+s17], $0x80, s29, s17, $0xb8;
	[tilespmem:$0x1F800] =	vst v63  }
0x34: {  	s29 =	simm.s32 $0x1480  }
0x35: {  	[spmem:s2] =	stream.indirect.scatter.add.f32 [tilespmem:s20], [sflag:$0x3], $0x80, s29, s17, $0xb8;
	[tilespmem:$0x1F800] =	vst v63  }
0x36: {  	_ =	swait.ge [sflag:s14], $0x4000  }
0x37: {  	s29 =	simm.s32 $0x400;
	[sflag:s14] =	ssyncset.done $0x0  }
.LBB2_2:
0x38: {  	p0 =	sne.s32 s29, $0x4800  }
0x39: {  	[sflag:s14] =	ssyncadd.s32 $0xFFFFC000;
	s30 =	smov.u32 s29;
	s29 =	sadd.s32 $0x400, s29  }
0x3a: {  	_ = 	snop  }
0x3b: {  	_ =	swait.ge [sflag:s19], $0x4000  }
0x3c: {  	s30 =	sshra.s32 s30, $0x2;
	[sflag:s19] =	ssyncset.done $0x0  }
0x3d: {  	s31 =	sadd.s32 $0x80, s30;
	[sflag:s19] =	ssyncadd.s32 $0xFFFFC000  }
0x3e: {  	[tilespmem:s20], [sflag:$0x2] =	stream.indirect.gather [hbm4b:s4+s17], $0x80, s31, s17, $0xb8;
	[tilespmem:$0x1F800] =	vst v63  }
0x3f: {  	s31 =	sadd.s32 $0x1400, s30  }
0x40: {  	[spmem:s2] =	stream.indirect.scatter.add.f32 [tilespmem:s18], [sflag:$0x3], $0x80, s31, s17, $0xb8;
	[tilespmem:$0x1F800] =	vst v63  }
0x41: {  	_ =	swait.ge [sflag:s14], $0x4000  }
0x42: {  	[sflag:s14] =	ssyncset.done $0x0  }
0x43: {  	[sflag:s14] =	ssyncadd.s32 $0xFFFFC000  }
0x44: {  	_ =	swait.ge [sflag:s21], $0x4000  }
0x45: {  	[sflag:s21] =	ssyncset.done $0x0  }
0x46: {  	s31 =	sadd.s32 $0x100, s30;
	[sflag:s21] =	ssyncadd.s32 $0xFFFFC000  }
0x47: {  	[tilespmem:s18], [sflag:$0x1] =	stream.indirect.gather [hbm4b:s4+s17], $0x80, s31, s17, $0xb8;
	[tilespmem:$0x1F800] =	vst v63  }
.Ltmp0:
0x48: {  	_ = 	snop;
	(pc) =	sbr.rel @p0 .LBB2_2-.Ltmp0, $4  }
0x49: {  	s30 =	sadd.s32 $0x1480, s30  }
0x4a: {  	[spmem:s2] =	stream.indirect.scatter.add.f32 [tilespmem:s20], [sflag:$0x3], $0x80, s30, s17, $0xb8;
	[tilespmem:$0x1F800] =	vst v63  }
0x4b: {  	_ =	swait.ge [sflag:s14], $0x4000  }
0x4c: {  	[sflag:s14] =	ssyncset.done $0x0  }
0x4d: {  	[sflag:s14] =	ssyncadd.s32 $0xFFFFC000  }
0x4e: {  	_ =	swait.ge [sflag:s19], $0x4000  }
0x4f: {  	[sflag:s19] =	ssyncset.done $0x0  }
0x50: {  	[sflag:s19] =	ssyncadd.s32 $0xFFFFC000  }
0x51: {  	[tilespmem:s20], [sflag:$0x2] =	stream.indirect.gather [hbm4b:s4+s17], $0x80, s22, s17, $0xb8;
	[tilespmem:$0x1F800] =	vst v63  }
0x52: {  	_ = 	snop  }
0x53: {  	[spmem:s2] =	stream.indirect.scatter.add.f32 [tilespmem:s18], [sflag:$0x3], $0x80, s23, s17, $0xb8;
	[tilespmem:$0x1F800] =	vst v63  }
0x54: {  	_ =	swait.ge [sflag:s14], $0x4000  }
0x55: {  	[sflag:s14] =	ssyncset.done $0x0  }
0x56: {  	[sflag:s14] =	ssyncadd.s32 $0xFFFFC000  }
0x57: {  	_ =	swait.ge [sflag:s21], $0x4000  }
0x58: {  	[sflag:s21] =	ssyncset.done $0x0  }
0x59: {  	[sflag:s21] =	ssyncadd.s32 $0xFFFFC000  }
0x5a: {  	[tilespmem:s18], [sflag:$0x1] =	stream.indirect.gather [hbm4b:s4+s17], $0x80, s22, s17, $0xb8;
	[tilespmem:$0x1F800] =	vst v63  }
0x5b: {  	_ = 	snop  }
0x5c: {  	[spmem:s2] =	stream.indirect.scatter.add.f32 [tilespmem:s20], [sflag:$0x3], $0x80, s24, s17, $0xb8;
	[tilespmem:$0x1F800] =	vst v63  }
0x5d: {  	_ =	swait.ge [sflag:s14], $0x4000  }
0x5e: {  	[sflag:s14] =	ssyncset.done $0x0  }
0x5f: {  	[sflag:s14] =	ssyncadd.s32 $0xFFFFC000  }
0x60: {  	_ =	swait.ge [sflag:s19], $0x4000  }
0x61: {  	[sflag:s19] =	ssyncset.done $0x0  }
0x62: {  	s29 =	simm.s32 $0x0;
	[sflag:s19] =	ssyncadd.s32 $0xFFFFC000  }
0x63: {  	[tilespmem:s29], [sflag:$0x3] =	stream.linear.gather [hbm4b:s10+s29], $0x1400, $0x38;
	[tilespmem:$0x1F800] =	vst v63  }
0x64: {  	_ =	swait.ge [sflag:s14], $0x1400  }
0x65: {  	[sflag:s14] =	ssyncset.done $0x0  }
0x66: {  	[sflag:s14] =	ssyncadd.s32 $0xFFFFEC00  }
0x67: {  	[tilespmem:s18], [sflag:$0x1] =	stream.indirect.gather [hbm4b:s4+s17], $0x80, s29, s17, $0xb8;
	[tilespmem:$0x1F800] =	vst v63  }
0x68: {  	_ =	swait.ge [sflag:s19], $0x4000  }
0x69: {  	[sflag:s19] =	ssyncset.done $0x0  }
0x6a: {  	s29 =	simm.s32 $0x80;
	[sflag:s19] =	ssyncadd.s32 $0xFFFFC000  }
0x6b: {  	[tilespmem:s20], [sflag:$0x2] =	stream.indirect.gather [hbm4b:s4+s17], $0x80, s29, s17, $0xb8;
	[tilespmem:$0x1F800] =	vst v63  }
0x6c: {  	s29 =	simm.s32 $0x2800  }
0x6d: {  	[spmem:s2] =	stream.indirect.scatter.add.f32 [tilespmem:s18], [sflag:$0x3], $0x80, s29, s17, $0xb8;
	[tilespmem:$0x1F800] =	vst v63  }
0x6e: {  	_ =	swait.ge [sflag:s14], $0x4000  }
0x6f: {  	[sflag:s14] =	ssyncset.done $0x0  }
0x70: {  	[sflag:s14] =	ssyncadd.s32 $0xFFFFC000  }
0x71: {  	_ =	swait.ge [sflag:s21], $0x4000  }
0x72: {  	[sflag:s21] =	ssyncset.done $0x0  }
0x73: {  	s29 =	simm.s32 $0x100;
	[sflag:s21] =	ssyncadd.s32 $0xFFFFC000  }
0x74: {  	[tilespmem:s18], [sflag:$0x1] =	stream.indirect.gather [hbm4b:s4+s17], $0x80, s29, s17, $0xb8;
	[tilespmem:$0x1F800] =	vst v63  }
0x75: {  	s29 =	simm.s32 $0x2880  }
0x76: {  	[spmem:s2] =	stream.indirect.scatter.add.f32 [tilespmem:s20], [sflag:$0x3], $0x80, s29, s17, $0xb8;
	[tilespmem:$0x1F800] =	vst v63  }
0x77: {  	_ =	swait.ge [sflag:s14], $0x4000  }
0x78: {  	s29 =	simm.s32 $0x400;
	[sflag:s14] =	ssyncset.done $0x0  }
.LBB2_4:
0x79: {  	p0 =	sne.s32 s29, $0x4800  }
0x7a: {  	[sflag:s14] =	ssyncadd.s32 $0xFFFFC000;
	s30 =	smov.u32 s29;
	s29 =	sadd.s32 $0x400, s29  }
0x7b: {  	_ = 	snop  }
0x7c: {  	_ =	swait.ge [sflag:s19], $0x4000  }
0x7d: {  	s30 =	sshra.s32 s30, $0x2;
	[sflag:s19] =	ssyncset.done $0x0  }
0x7e: {  	s31 =	sadd.s32 $0x80, s30;
	[sflag:s19] =	ssyncadd.s32 $0xFFFFC000  }
0x7f: {  	[tilespmem:s20], [sflag:$0x2] =	stream.indirect.gather [hbm4b:s4+s17], $0x80, s31, s17, $0xb8;
	[tilespmem:$0x1F800] =	vst v63  }
0x80: {  	s31 =	sadd.s32 $0x2800, s30  }
0x81: {  	[spmem:s2] =	stream.indirect.scatter.add.f32 [tilespmem:s18], [sflag:$0x3], $0x80, s31, s17, $0xb8;
	[tilespmem:$0x1F800] =	vst v63  }
0x82: {  	_ =	swait.ge [sflag:s14], $0x4000  }
0x83: {  	[sflag:s14] =	ssyncset.done $0x0  }
0x84: {  	[sflag:s14] =	ssyncadd.s32 $0xFFFFC000  }
0x85: {  	_ =	swait.ge [sflag:s21], $0x4000  }
0x86: {  	[sflag:s21] =	ssyncset.done $0x0  }
0x87: {  	s31 =	sadd.s32 $0x100, s30;
	[sflag:s21] =	ssyncadd.s32 $0xFFFFC000  }
0x88: {  	[tilespmem:s18], [sflag:$0x1] =	stream.indirect.gather [hbm4b:s4+s17], $0x80, s31, s17, $0xb8;
	[tilespmem:$0x1F800] =	vst v63  }
.Ltmp1:
0x89: {  	_ = 	snop;
	(pc) =	sbr.rel @p0 .LBB2_4-.Ltmp1, $4  }
0x8a: {  	s30 =	sadd.s32 $0x2880, s30  }
0x8b: {  	[spmem:s2] =	stream.indirect.scatter.add.f32 [tilespmem:s20], [sflag:$0x3], $0x80, s30, s17, $0xb8;
	[tilespmem:$0x1F800] =	vst v63  }
0x8c: {  	_ =	swait.ge [sflag:s14], $0x4000  }
0x8d: {  	[sflag:s14] =	ssyncset.done $0x0  }
0x8e: {  	[sflag:s14] =	ssyncadd.s32 $0xFFFFC000  }
0x8f: {  	_ =	swait.ge [sflag:s19], $0x4000  }
0x90: {  	[sflag:s19] =	ssyncset.done $0x0  }
0x91: {  	[sflag:s19] =	ssyncadd.s32 $0xFFFFC000  }
0x92: {  	[tilespmem:s20], [sflag:$0x2] =	stream.indirect.gather [hbm4b:s4+s17], $0x80, s22, s17, $0xb8;
	[tilespmem:$0x1F800] =	vst v63  }
0x93: {  	_ = 	snop  }
0x94: {  	[spmem:s2] =	stream.indirect.scatter.add.f32 [tilespmem:s18], [sflag:$0x3], $0x80, s25, s17, $0xb8;
	[tilespmem:$0x1F800] =	vst v63  }
0x95: {  	_ =	swait.ge [sflag:s14], $0x4000  }
0x96: {  	[sflag:s14] =	ssyncset.done $0x0  }
0x97: {  	[sflag:s14] =	ssyncadd.s32 $0xFFFFC000  }
0x98: {  	_ =	swait.ge [sflag:s21], $0x4000  }
0x99: {  	[sflag:s21] =	ssyncset.done $0x0  }
0x9a: {  	[sflag:s21] =	ssyncadd.s32 $0xFFFFC000  }
0x9b: {  	[tilespmem:s18], [sflag:$0x1] =	stream.indirect.gather [hbm4b:s4+s17], $0x80, s22, s17, $0xb8;
	[tilespmem:$0x1F800] =	vst v63  }
0x9c: {  	_ = 	snop  }
0x9d: {  	[spmem:s2] =	stream.indirect.scatter.add.f32 [tilespmem:s20], [sflag:$0x3], $0x80, s26, s17, $0xb8;
	[tilespmem:$0x1F800] =	vst v63  }
0x9e: {  	_ =	swait.ge [sflag:s14], $0x4000  }
0x9f: {  	[sflag:s14] =	ssyncset.done $0x0  }
0xa0: {  	[sflag:s14] =	ssyncadd.s32 $0xFFFFC000  }
0xa1: {  	_ =	swait.ge [sflag:s19], $0x4000  }
0xa2: {  	s28 =	sadd.s32 $0x1, s28;
	[sflag:s19] =	ssyncset.done $0x0  }
0xa3: {  	p0 =	sne.s32 s28, s12;
	[sflag:s19] =	ssyncadd.s32 $0xFFFFC000  }
.Ltmp2:
0xa4: {  	[bflag:$0x0] =	sbarrier.arrive $0xFFFF;
	(pc) =	sbr.rel @p0 .LBB2_1-.Ltmp2, $4  }
0xa5: {  	[hbm:s11], [sflag:s6] =	dma.local [spmem:s13], $0x2780  }
0xa6: {  	_ =	swait.ge [sflag:s14], $0x2780  }
0xa7: {  	[sflag:s14] =	ssyncset.done $0x0  }
0xa8: {  	[sflag:s14] =	ssyncadd.s32 $0xFFFFD880  }
0xa9: {  	_ =	sfence.sel $0x180000  }
0xaa: {  	[bflag:$0x0] =	sbarrier.arrive $0xFFFF  }
0xab: {  	p0 =	sne.s32 s1, $0x0;
	_ =	strace $0x9000004A  }
0xac: {  	s0 =	sadd.s32 @!p0 $0x100000, s0;
	[bflag:$0x2] =	sbarrier.arrive $0xFFFF  }
0xad: {  	[sflag:s0] =	ssyncadd.tile.s32 @!p0 $0x1;
	_ =	shalt  }
.Lfunc_end2:
_tile_overlayer_lowered:
.L_overlay_start_2:
0xae: {  	(tag) =	ssettag $0x2  }
0xaf: {  	s0 =	rddreg [dreg:$0x0];
	s2 =	stileid.u32  }
0xb0: {  	s1 =	rddreg [dreg:$0x1];
	p0 =	sne.s32 s2, $0x0  }
0xb1: {  	s3 =	rddreg [dreg:$0x2];
	[bflag:$0x3] =	sbarrier.arrive $0xFFFF;
	s2 =	simm.s32 @!p0 $0x1C03  }
0xb2: {  	[timem:s3], [sflag:s2] =	dma.local @!p0 [hbm:s0], s1  }
0xb3: {  	s0 =	simm.s32 @!p0 $0x3  }
0xb4: {  	_ =	swait.ge @!p0 [sflag:s0], s1  }
0xb5: {  	s1 =	ssub.s32 @!p0 $0x0, s1;
	[sflag:s0] =	ssyncset.done @!p0 $0x0  }
0xb6: {  	[sflag:s0] =	ssyncadd.s32 @!p0 s1  }
0xb7: {  	[bflag:$0x3] =	sbarrier.arrive $0xFFFF  }
0xb8: {  	_ =	shalt  }

// kernel: kernel.14.cloned.1.call-start
scs
__scs_entry_jumppad:
0x0: {  	(pc) =	sbr.rel $0x88, $3  }
0x1: {  	(tag) =	ssettag $0x0;
	lr =	simm.s32 $0x1  }
0x2: {  	[smem:$0x3F93] =	sst lr;
	_ =	strace $0xD0000000  }
0x3: {  	_ = 	snop  }
0x4: {  	_ = 	snop  }
0x5: {  	_ = 	snop  }
0x6: {  	_ = 	snop  }
0x7: {  	_ = 	snop  }
__scs_overlays_trampoline_lowered:
0x8: {  	[smem:$0x3FA2] =	sst s0  }
0x9: {  	[smem:$0x3FA3] =	sst s1  }
0xa: {  	[smem:$0x3FA4] =	sst s2  }
0xb: {  	[smem:$0x3FA5] =	sst s3  }
0xc: {  	[smem:$0x3FA6] =	sst s4  }
0xd: {  	[smem:$0x3FA7] =	sst s5  }
0xe: {  	[smem:$0x3FA8] =	sst s6  }
0xf: {  	[smem:$0x3FA9] =	sst s7  }
0x10: {  	[smem:$0x3FAA] =	sst s8  }
0x11: {  	[smem:$0x3FAB] =	sst s9;
	s0 =	simm.s32 @!p0 $0x0  }
0x12: {  	s1 =	sld [smem:$0x3F91];
	s0 =	simm.s32 @p0 $0x1  }
0x13: {  	[smem:$0x3FAC] =	sst s0;
	s0 =	simm.s32 @!p1 $0x0  }
0x14: {  	s2 =	sld [smem:$0x3F90];
	s0 =	simm.s32 @p1 $0x1  }
0x15: {  	[smem:$0x3FAD] =	sst s0;
	s0 =	simm.s32 @!p2 $0x0  }
0x16: {  	s3 =	sld [smem:$0x3FDB];
	s0 =	simm.s32 @p2 $0x1  }
0x17: {  	s4 =	simm.s32 $0x1BF5;
	[smem:$0x3FAF] =	sst s0  }
0x18: {  	s0 =	sld [smem:$0x3F92];
	_ =	swait.ge [sflag:s4], $0x0  }
0x19: {  	s7 =	sld [smem:$0x3F93]  }
0x1a: {  	s8 =	sadd.s32 $0xFFFFE003, lr  }
0x1b: {  	s9 =	sadd.s32 $0xFFFFFEF7, lr;
	s5 =	simm.s32 $0xFFFFFFFF;
	p2 =	slt.u32 s8, $0xFFFFF086  }
0x1c: {  	p1 =	slt.u32 s9, $0xF7A;
	s5 =	simm.s32 @!p2 $0x0  }
0x1d: {  	s5 =	simm.s32 @p1 $0x1;
	p0 =	seq.s32 s7, s2  }
0x1e: {  	s7 =	smul.u32 @!p0 $0xF7A, s2;
	p2 =	seq.s32 @!p0 s5, $0x0  }
0x1f: {  	s9 =	smul.u32 $0xF7A, s1;
	s8 =	simm.s32 @!p0 $0x1BF5;
	p2 =	por !p2, p0  }
0x20: {  	[sflag:s8] =	ssyncset.s32 @!p0 $0xFFFFF086;
	s6 =	sadd.s32 @!p0 s3, s7;
	s7 =	simm.s32 @!p0 $0x108  }
0x21: {  	s3 =	sadd.s32 s3, s9;
	s6 =	sadd.s32 @!p0 $0x88, s6;
	s7 =	simm.s32 @p2 $0x1082  }
0x22: {  	[simem:s7], [sflag:s8] =	dma.local @!p0 [hbm:s6], $0xF7A  }
0x23: {  	s9 =	sor.u32 $0xD0000000, s2;
	s6 =	simm.s32 $0x108;
	_ =	swait.ge @!p0 [sflag:s8], $0x0  }
0x24: {  	s3 =	sadd.s32 $0x88, s3;
	s6 =	simm.s32 @!p1 $0x1082;
	[sflag:s4] =	ssyncset.s32 $0xFFFFF086  }
0x25: {  	[simem:s6], [sflag:s4] =	dma.local [hbm:s3], $0xF7A  }
0x26: {  	[smem:$0x3F93] =	sst s1;
	(tag) =	ssettag s2;
	_ =	strace s9  }
0x27: {  	s1 =	sld [smem:$0x3FA3]  }
0x28: {  	s2 =	sld [smem:$0x3FA4]  }
0x29: {  	s4 =	sld [smem:$0x3FA6]  }
0x2a: {  	p0 =	seq.s32 s5, $0x0;
	s5 =	sld [smem:$0x3FA7]  }
0x2b: {  	s6 =	sld [smem:$0x3FA8]  }
0x2c: {  	s7 =	sld [smem:$0x3FA9]  }
0x2d: {  	s3 =	simm.s32 $0x108;
	s8 =	sld [smem:$0x3FAA]  }
0x2e: {  	s3 =	simm.s32 @!p0 $0x1082;
	s9 =	sld [smem:$0x3FAB]  }
0x2f: {  	lr =	sadd.s32 s0, s3;
	s0 =	sld [smem:$0x3FA2]  }
0x30: {  	s3 =	sld [smem:$0x3FA5]  }
0x31: {  	[smem:$0x3FAE] =	sst s10  }
0x32: {  	s10 =	sld [smem:$0x3FAC];
	_ =	sdelay $0x3  }
0x33: {  	p0 =	seq.s32 s10, $0x1;
	s10 =	sld [smem:$0x3FAE];
	_ =	sdelay $0x3  }
0x34: {  	[smem:$0x3FAE] =	sst s10  }
0x35: {  	s10 =	sld [smem:$0x3FAD];
	_ =	sdelay $0x3  }
0x36: {  	p1 =	seq.s32 s10, $0x1;
	s10 =	sld [smem:$0x3FAE];
	_ =	sdelay $0x3  }
0x37: {  	[smem:$0x3FAE] =	sst s10  }
0x38: {  	s10 =	sld [smem:$0x3FAF]  }
0x39: {  	_ = 	snop;
	(pc) =	sbr.ind lr, $3  }
0x3a: {  	_ = 	snop  }
0x3b: {  	_ = 	snop  }
0x3c: {  	p2 =	seq.s32 s10, $0x1;
	s10 =	sld [smem:$0x3FAE]  }
0x3d: {  	_ =	shalt  }
0x3e: {  	_ =	shalt  }
0x3f: {  	_ =	shalt  }
0x40: {  	_ =	shalt  }
0x41: {  	_ =	shalt  }
0x42: {  	_ =	shalt  }
0x43: {  	_ =	shalt  }
0x44: {  	_ =	shalt  }
0x45: {  	_ =	shalt  }
0x46: {  	_ =	shalt  }
0x47: {  	_ =	shalt  }
0x48: {  	_ =	shalt  }
0x49: {  	_ =	shalt  }
0x4a: {  	_ =	shalt  }
0x4b: {  	_ =	shalt  }
0x4c: {  	_ =	shalt  }
0x4d: {  	_ =	shalt  }
0x4e: {  	_ =	shalt  }
0x4f: {  	_ =	shalt  }
0x50: {  	_ =	shalt  }
0x51: {  	_ =	shalt  }
0x52: {  	_ =	shalt  }
0x53: {  	_ =	shalt  }
0x54: {  	_ =	shalt  }
0x55: {  	_ =	shalt  }
0x56: {  	_ =	shalt  }
0x57: {  	_ =	shalt  }
0x58: {  	_ =	shalt  }
0x59: {  	_ =	shalt  }
0x5a: {  	_ =	shalt  }
0x5b: {  	_ =	shalt  }
0x5c: {  	_ =	shalt  }
0x5d: {  	_ =	shalt  }
0x5e: {  	_ =	shalt  }
0x5f: {  	_ =	shalt  }
0x60: {  	_ =	shalt  }
0x61: {  	_ =	shalt  }
0x62: {  	_ =	shalt  }
0x63: {  	_ =	shalt  }
0x64: {  	_ =	shalt  }
0x65: {  	_ =	shalt  }
0x66: {  	_ =	shalt  }
0x67: {  	_ =	shalt  }
0x68: {  	_ =	shalt  }
0x69: {  	_ =	shalt  }
0x6a: {  	_ =	shalt  }
0x6b: {  	_ =	shalt  }
0x6c: {  	_ =	shalt  }
0x6d: {  	_ =	shalt  }
0x6e: {  	_ =	shalt  }
0x6f: {  	_ =	shalt  }
0x70: {  	_ =	shalt  }
0x71: {  	_ =	shalt  }
0x72: {  	_ =	shalt  }
0x73: {  	_ =	shalt  }
0x74: {  	_ =	shalt  }
0x75: {  	_ =	shalt  }
0x76: {  	_ =	shalt  }
0x77: {  	_ =	shalt  }
0x78: {  	_ =	shalt  }
0x79: {  	_ =	shalt  }
0x7a: {  	_ =	shalt  }
0x7b: {  	_ =	shalt  }
0x7c: {  	_ =	shalt  }
0x7d: {  	_ =	shalt  }
0x7e: {  	_ =	shalt  }
0x7f: {  	_ =	shalt  }
0x80: {  	_ =	shalt  }
0x81: {  	_ =	shalt  }
0x82: {  	_ =	shalt  }
0x83: {  	_ =	shalt  }
0x84: {  	_ =	shalt  }
0x85: {  	_ =	shalt  }
0x86: {  	_ =	shalt  }
0x87: {  	_ =	shalt  }
.Lfunc_end0:
.L_simem_size_0:
called_computation.2_lowered:
.L_overlay_start_0:
0x88: {  	s2 =	sld [smem:$0x3FD9]  }
0x89: {  	s3 =	sld [smem:$0x3FFE];
	_ =	sdelay $0x1  }
0x8a: {  	s1 =	srdreg.scid  }
0x8b: {  	s0 =	sand.u32 $0x1, s1  }
0x8c: {  	s17 =	sshll.u32 s0, $0xA;
	s2 =	sadd.s32 s3, s2  }
0x8d: {  	s2 =	sadd.s32 s2, s17  }
0x8e: {  	[smem:$0x3FBA] =	sst s2  }
0x8f: {  	_ = 	snop  }
0x90: {  	s2 =	sld [smem:$0x3FD0];
	(tm) =	ssettm $0x1  }
0x91: {  	s18 =	sld [smem:$0x3FFB];
	_ =	sdelay $0x3  }
0x92: {  	_ =	strace s18  }
0x93: {  	s3 =	sld [smem:$0x3FFC];
	_ =	sdelay $0x3  }
0x94: {  	_ =	strace s3  }
0x95: {  	s3 =	sld [smem:$0x3FFD];
	_ =	sdelay $0x3  }
0x96: {  	_ =	strace s3  }
0x97: {  	_ =	strace $0x8FFFFFFF  }
0x98: {  	s19 =	sld [smem:$0x3FDB];
	_ =	sdelay $0x1  }
0x99: {  	s4 =	simm.s32 $_scs_section_size  }
0x9a: {  	s5 =	simm.s32 $_size__tile_overlayer_lowered;
	s6 =	simm.s32 $_tile_overlayer_lowered  }
0x9b: {  	s22 =	simm.s32 $0x1BFF;
	s21 =	sshll.u32 s6, $0x1;
	s3 =	sadd.s32 s4, s19  }
0x9c: {  	s7 =	simm.s32 $0x0;
	s20 =	sshll.u32 s5, $0x1;
	s5 =	sadd.s32 s21, s3  }
0x9d: {  	[timem:s7], [sflag:s22] =	dma.local [hbm:s5], s20  }
0x9e: {  	_ =	swait.ge [sflag:s22], s20  }
0x9f: {  	s4 =	ssub.s32 $0x0, s20;
	[sflag:s22] =	ssyncset.done $0x0  }
0xa0: {  	[sflag:s22] =	ssyncadd.s32 s4;
	_ =	sdelay $0x1  }
0xa1: {  	s23 =	simm.s32 $0x1B8B  }
0xa2: {  	_ =	swait.ge [sflag:s23], $0x1  }
0xa3: {  	[sflag:s23] =	ssyncset.done $0x0  }
0xa4: {  	s25 =	simm.s32 $0x1B8E;
	s24 =	sld [smem:$0x3FFE];
	[sflag:s23] =	ssyncadd.s32 $0xFFFFFFFF  }
0xa5: {  	s26 =	simm.s32 $execute0_lowered;
	[smem:$0x3FD2] =	sst s25  }
0xa6: {  	s5 =	sshll.u32 s26, $0x1;
	_ =	strace $0x8000004C;
	[dreg:$0x1] =	wrdreg $0xFFFFFFFF  }
0xa7: {  	s28 =	simm.s32 $_size_execute0_lowered;
	s3 =	sadd.s32 s3, s5;
	[dreg:$0x0] =	wrdreg $0x0  }
0xa8: {  	s5 =	sshll.u32 s28, $0x1;
	[dreg:$0x2] =	wrdreg s3  }
0xa9: {  	[dreg:$0x3] =	wrdreg s5  }
0xaa: {  	[dreg:$0x4] =	wrdreg $0xC0  }
0xab: {  	_ =	task [dreg:s7], $0x5FFFF  }
0xac: {  	[dreg:$0x1] =	wrdreg $0xFFFFFFFF  }
0xad: {  	[dreg:$0x0] =	wrdreg $0x60  }
0xae: {  	[dreg:$0x2] =	wrdreg s2  }
0xaf: {  	[dreg:$0x3] =	wrdreg s24  }
0xb0: {  	[dreg:$0x4] =	wrdreg $0xBC000  }
0xb1: {  	[dreg:$0x5] =	wrdreg $0x9  }
0xb2: {  	_ =	task.clear_ibuf [dreg:s7], $0x6FFFF;
	_ =	strace $0x9000004C  }
0xb3: {  	s29 =	simm.s32 $0x9;
	_ =	strace $0x8000004E  }
0xb4: {  	_ =	swait.ge [sflag:s29], $0x1  }
0xb5: {  	[sflag:s29] =	ssyncadd.s32 $0xFFFFFFFF  }
0xb6: {  	_ =	strace $0x9000004E  }
0xb7: {  	_ =	sfence  }
0xb8: {  	s30 =	sld [smem:$0x0];
	_ =	sdelay $0x2  }
0xb9: {  	s31 =	sshll.u32 s1, $0xD;
	s1 =	sshrl.u32 s1, $0x2  }
0xba: {  	s3 =	sand.u32 $0x4000, s31;
	s1 =	sadd.s32 s1, s30  }
0xbb: {  	s0 =	sor.u32 s3, s0;
	s1 =	sshll.u32 s1, $0x11  }
0xbc: {  	s0 =	sor.u32 s1, s0  }
0xbd: {  	s0 =	sadd.s32 $0x8F2B, s0  }
0xbe: {  	[sflag:s0] =	ssyncadd.remote.s32 $0x1  }
0xbf: {  	_ =	sfence.sel $0xFFFF  }
0xc0: {  	[dreg:$0x0] =	wrdreg $0xFFFFFFFF;
	(pc) =	sbr.abs _section_cstart, $3  }
0xc1: {  	[dreg:$0x1] =	wrdreg $0xFFFFFFFF  }
0xc2: {  	_ =	task.clear_ibuf [dreg:s7], $0x2FFFF;
	_ =	strace $0x9FFFFFFF  }
0xc3: {  	(tm) =	ssettm $0x7FFFFFFF  }
tec
execute0_lowered:
.L_overlay_start_1:
0x0: {  	(tag) =	ssettag $0x1  }
0x1: {  	s10 =	rddreg [dreg:$0x0]  }
0x2: {  	s5 =	rddreg [dreg:$0x1]  }
0x3: {  	s2 =	rddreg [dreg:$0x2]  }
0x4: {  	s0 =	rddreg [dreg:$0x3];
	s3 =	simm.s32 $0x0;
	s1 =	stileid.u32  }
0x5: {  	s4 =	srdreg.scid;
	s16 =	simm.s32 $0x2800;
	s17 =	simm.s32 $0x80  }
0x6: {  	s18 =	simm.s32 $0x3C00;
	s19 =	simm.s32 $0x1;
	s20 =	simm.s32 $0x7C00  }
0x7: {  	s21 =	simm.s32 $0x2;
	s22 =	simm.s32 $0x1380;
	s23 =	simm.s32 $0x2700  }
0x8: {  	s24 =	simm.s32 $0x2780;
	s28 =	simm.s32 $0x0;
	[smem:$0x7FF] =	sst s3  }
0x9: {  	s6 =	smul.u32 $0x13C00, s1;
	s7 =	sand.u32 $0x1, s4;
	s9 =	sadd.s32 $0x3600, s5  }
0xa: {  	s4 =	sadd.s32 $0x34E00, s5;
	s25 =	sshll.u32 s1, $0x1;
	s13 =	smul.u32 $0x4F000, s1  }
0xb: {  	s30 =	sshll.u32 s1, $0x6;
	_ =	strace $0x8000004D;
	s8 =	smul.u32 $0x13C000, s7  }
0xc: {  	s12 =	ssub.s32 $0x2, s7;
	s7 =	sor.u32 s7, s25;
	s25 =	simm.s32 $0x3B00  }
0xd: {  	s11 =	sshrl.u32 s6, $0x3;
	s26 =	sshrl.u32 s12, $0x1;
	s7 =	smul.u32 $0x1400, s7  }
0xe: {  	s29 =	sshrl.u32 s13, $0x2;
	s11 =	sadd.s32 s11, s5;
	s6 =	sadd.s32 s6, s8  }
0xf: {  	s12 =	ssub.s32 s12, s26;
	s13 =	sadd.s32 s29, s2;
	s26 =	simm.s32 $0x3B80  }
0x10: {  	s6 =	sshrl.u32 s6, $0x3;
	s15 =	sshrl.u32 s7, $0x3;
	s12 =	smax.u32 s12, $0x1  }
0x11: {  	s13 =	sshrl.u32 s13, $0x3;
	s14 =	sadd.s32 s6, s5;
	s5 =	sadd.s32 $0xD600, s11  }
0x12: {  	s6 =	sor.u32 $0x1C03, s30;
	s31 =	sadd.s32 $0x5000, s15;
	s7 =	sadd.s32 s9, s15  }
0x13: {  	s8 =	sadd.s32 s9, s31;
	s9 =	sadd.s32 s10, s15;
	s10 =	sadd.s32 s10, s31  }
0x14: {  	s11 =	sadd.s32 $0x5C000, s14;
	s14 =	simm.s32 $0x3;
	s15 =	simm.s32 $0x1400  }
.LBB2_1:
0x15: {  	[spmem:s13], [sflag:s6] =	dma.local [hbm:s5], $0x2780  }
0x16: {  	_ =	swait.ge [sflag:s14], $0x2780  }
0x17: {  	[sflag:s14] =	ssyncset.done $0x0  }
0x18: {  	[sflag:s14] =	ssyncadd.s32 $0xFFFFD880  }
0x19: {  	[tilespmem:s15], [sflag:$0x3] =	stream.linear.gather [hbm4b:s7+s3], $0x1400, $0x38;
	[tilespmem:$0x1F800] =	vst v63  }
0x1a: {  	_ =	swait.ge [sflag:s14], $0x1400  }
0x1b: {  	[sflag:s14] =	ssyncset.done $0x0  }
0x1c: {  	[sflag:s14] =	ssyncadd.s32 $0xFFFFEC00  }
0x1d: {  	[tilespmem:s16], [sflag:$0x3] =	stream.linear.gather [hbm4b:s8+s3], $0x1400, $0x38;
	[tilespmem:$0x1F800] =	vst v63  }
0x1e: {  	_ =	swait.ge [sflag:s14], $0x1400  }
0x1f: {  	[sflag:s14] =	ssyncset.done $0x0  }
0x20: {  	[sflag:s14] =	ssyncadd.s32 $0xFFFFEC00  }
0x21: {  	[tilespmem:s3], [sflag:$0x3] =	stream.linear.gather [hbm4b:s9+s3], $0x1400, $0x38;
	[tilespmem:$0x1F800] =	vst v63  }
0x22: {  	_ =	swait.ge [sflag:s14], $0x1400  }
0x23: {  	[sflag:s14] =	ssyncset.done $0x0  }
0x24: {  	[sflag:s14] =	ssyncadd.s32 $0xFFFFEC00  }
0x25: {  	[bflag:$0x0] =	sbarrier.arrive $0xFFFF  }
0x26: {  	[tilespmem:s18], [sflag:$0x1] =	stream.indirect.gather [hbm4b:s4+s17], $0x80, s3, s17, $0xb8;
	[tilespmem:$0x1F800] =	vst v63  }
0x27: {  	_ =	swait.ge [sflag:s19], $0x4000  }
0x28: {  	[sflag:s19] =	ssyncset.done $0x0  }
0x29: {  	s29 =	simm.s32 $0x80;
	[sflag:s19] =	ssyncadd.s32 $0xFFFFC000  }
0x2a: {  	[tilespmem:s20], [sflag:$0x2] =	stream.indirect.gather [hbm4b:s4+s17], $0x80, s29, s17, $0xb8;
	[tilespmem:$0x1F800] =	vst v63  }
0x2b: {  	s29 =	simm.s32 $0x1400  }
0x2c: {  	[spmem:s2] =	stream.indirect.scatter.add.f32 [tilespmem:s18], [sflag:$0x3], $0x80, s29, s17, $0xb8;
	[tilespmem:$0x1F800] =	vst v63  }
0x2d: {  	_ =	swait.ge [sflag:s14], $0x4000  }
0x2e: {  	[sflag:s14] =	ssyncset.done $0x0  }
0x2f: {  	[sflag:s14] =	ssyncadd.s32 $0xFFFFC000  }
0x30: {  	_ =	swait.ge [sflag:s21], $0x4000  }
0x31: {  	[sflag:s21] =	ssyncset.done $0x0  }
0x32: {  	s29 =	simm.s32 $0x100;
	[sflag:s21] =	ssyncadd.s32 $0xFFFFC000  }
0x33: {  	[tilespmem:s18], [sflag:$0x1] =	stream.indirect.gather [hbm4b:s4+s17], $0x80, s29, s17, $0xb8;
	[tilespmem:$0x1F800] =	vst v63  }
0x34: {  	s29 =	simm.s32 $0x1480  }
0x35: {  	[spmem:s2] =	stream.indirect.scatter.add.f32 [tilespmem:s20], [sflag:$0x3], $0x80, s29, s17, $0xb8;
	[tilespmem:$0x1F800] =	vst v63  }
0x36: {  	_ =	swait.ge [sflag:s14], $0x4000  }
0x37: {  	s29 =	simm.s32 $0x400;
	[sflag:s14] =	ssyncset.done $0x0  }
.LBB2_2:
0x38: {  	p0 =	sne.s32 s29, $0x4800  }
0x39: {  	[sflag:s14] =	ssyncadd.s32 $0xFFFFC000;
	s30 =	smov.u32 s29;
	s29 =	sadd.s32 $0x400, s29  }
0x3a: {  	_ = 	snop  }
0x3b: {  	_ =	swait.ge [sflag:s19], $0x4000  }
0x3c: {  	s30 =	sshra.s32 s30, $0x2;
	[sflag:s19] =	ssyncset.done $0x0  }
0x3d: {  	s31 =	sadd.s32 $0x80, s30;
	[sflag:s19] =	ssyncadd.s32 $0xFFFFC000  }
0x3e: {  	[tilespmem:s20], [sflag:$0x2] =	stream.indirect.gather [hbm4b:s4+s17], $0x80, s31, s17, $0xb8;
	[tilespmem:$0x1F800] =	vst v63  }
0x3f: {  	s31 =	sadd.s32 $0x1400, s30  }
0x40: {  	[spmem:s2] =	stream.indirect.scatter.add.f32 [tilespmem:s18], [sflag:$0x3], $0x80, s31, s17, $0xb8;
	[tilespmem:$0x1F800] =	vst v63  }
0x41: {  	_ =	swait.ge [sflag:s14], $0x4000  }
0x42: {  	[sflag:s14] =	ssyncset.done $0x0  }
0x43: {  	[sflag:s14] =	ssyncadd.s32 $0xFFFFC000  }
0x44: {  	_ =	swait.ge [sflag:s21], $0x4000  }
0x45: {  	[sflag:s21] =	ssyncset.done $0x0  }
0x46: {  	s31 =	sadd.s32 $0x100, s30;
	[sflag:s21] =	ssyncadd.s32 $0xFFFFC000  }
0x47: {  	[tilespmem:s18], [sflag:$0x1] =	stream.indirect.gather [hbm4b:s4+s17], $0x80, s31, s17, $0xb8;
	[tilespmem:$0x1F800] =	vst v63  }
.Ltmp0:
0x48: {  	_ = 	snop;
	(pc) =	sbr.rel @p0 .LBB2_2-.Ltmp0, $4  }
0x49: {  	s30 =	sadd.s32 $0x1480, s30  }
0x4a: {  	[spmem:s2] =	stream.indirect.scatter.add.f32 [tilespmem:s20], [sflag:$0x3], $0x80, s30, s17, $0xb8;
	[tilespmem:$0x1F800] =	vst v63  }
0x4b: {  	_ =	swait.ge [sflag:s14], $0x4000  }
0x4c: {  	[sflag:s14] =	ssyncset.done $0x0  }
0x4d: {  	[sflag:s14] =	ssyncadd.s32 $0xFFFFC000  }
0x4e: {  	_ =	swait.ge [sflag:s19], $0x4000  }
0x4f: {  	[sflag:s19] =	ssyncset.done $0x0  }
0x50: {  	[sflag:s19] =	ssyncadd.s32 $0xFFFFC000  }
0x51: {  	[tilespmem:s20], [sflag:$0x2] =	stream.indirect.gather [hbm4b:s4+s17], $0x80, s22, s17, $0xb8;
	[tilespmem:$0x1F800] =	vst v63  }
0x52: {  	_ = 	snop  }
0x53: {  	[spmem:s2] =	stream.indirect.scatter.add.f32 [tilespmem:s18], [sflag:$0x3], $0x80, s23, s17, $0xb8;
	[tilespmem:$0x1F800] =	vst v63  }
0x54: {  	_ =	swait.ge [sflag:s14], $0x4000  }
0x55: {  	[sflag:s14] =	ssyncset.done $0x0  }
0x56: {  	[sflag:s14] =	ssyncadd.s32 $0xFFFFC000  }
0x57: {  	_ =	swait.ge [sflag:s21], $0x4000  }
0x58: {  	[sflag:s21] =	ssyncset.done $0x0  }
0x59: {  	[sflag:s21] =	ssyncadd.s32 $0xFFFFC000  }
0x5a: {  	[tilespmem:s18], [sflag:$0x1] =	stream.indirect.gather [hbm4b:s4+s17], $0x80, s22, s17, $0xb8;
	[tilespmem:$0x1F800] =	vst v63  }
0x5b: {  	_ = 	snop  }
0x5c: {  	[spmem:s2] =	stream.indirect.scatter.add.f32 [tilespmem:s20], [sflag:$0x3], $0x80, s24, s17, $0xb8;
	[tilespmem:$0x1F800] =	vst v63  }
0x5d: {  	_ =	swait.ge [sflag:s14], $0x4000  }
0x5e: {  	[sflag:s14] =	ssyncset.done $0x0  }
0x5f: {  	[sflag:s14] =	ssyncadd.s32 $0xFFFFC000  }
0x60: {  	_ =	swait.ge [sflag:s19], $0x4000  }
0x61: {  	[sflag:s19] =	ssyncset.done $0x0  }
0x62: {  	s29 =	simm.s32 $0x0;
	[sflag:s19] =	ssyncadd.s32 $0xFFFFC000  }
0x63: {  	[tilespmem:s29], [sflag:$0x3] =	stream.linear.gather [hbm4b:s10+s29], $0x1400, $0x38;
	[tilespmem:$0x1F800] =	vst v63  }
0x64: {  	_ =	swait.ge [sflag:s14], $0x1400  }
0x65: {  	[sflag:s14] =	ssyncset.done $0x0  }
0x66: {  	[sflag:s14] =	ssyncadd.s32 $0xFFFFEC00  }
0x67: {  	[tilespmem:s18], [sflag:$0x1] =	stream.indirect.gather [hbm4b:s4+s17], $0x80, s29, s17, $0xb8;
	[tilespmem:$0x1F800] =	vst v63  }
0x68: {  	_ =	swait.ge [sflag:s19], $0x4000  }
0x69: {  	[sflag:s19] =	ssyncset.done $0x0  }
0x6a: {  	s29 =	simm.s32 $0x80;
	[sflag:s19] =	ssyncadd.s32 $0xFFFFC000  }
0x6b: {  	[tilespmem:s20], [sflag:$0x2] =	stream.indirect.gather [hbm4b:s4+s17], $0x80, s29, s17, $0xb8;
	[tilespmem:$0x1F800] =	vst v63  }
0x6c: {  	s29 =	simm.s32 $0x2800  }
0x6d: {  	[spmem:s2] =	stream.indirect.scatter.add.f32 [tilespmem:s18], [sflag:$0x3], $0x80, s29, s17, $0xb8;
	[tilespmem:$0x1F800] =	vst v63  }
0x6e: {  	_ =	swait.ge [sflag:s14], $0x4000  }
0x6f: {  	[sflag:s14] =	ssyncset.done $0x0  }
0x70: {  	[sflag:s14] =	ssyncadd.s32 $0xFFFFC000  }
0x71: {  	_ =	swait.ge [sflag:s21], $0x4000  }
0x72: {  	[sflag:s21] =	ssyncset.done $0x0  }
0x73: {  	s29 =	simm.s32 $0x100;
	[sflag:s21] =	ssyncadd.s32 $0xFFFFC000  }
0x74: {  	[tilespmem:s18], [sflag:$0x1] =	stream.indirect.gather [hbm4b:s4+s17], $0x80, s29, s17, $0xb8;
	[tilespmem:$0x1F800] =	vst v63  }
0x75: {  	s29 =	simm.s32 $0x2880  }
0x76: {  	[spmem:s2] =	stream.indirect.scatter.add.f32 [tilespmem:s20], [sflag:$0x3], $0x80, s29, s17, $0xb8;
	[tilespmem:$0x1F800] =	vst v63  }
0x77: {  	_ =	swait.ge [sflag:s14], $0x4000  }
0x78: {  	s29 =	simm.s32 $0x400;
	[sflag:s14] =	ssyncset.done $0x0  }
.LBB2_4:
0x79: {  	p0 =	sne.s32 s29, $0x4800  }
0x7a: {  	[sflag:s14] =	ssyncadd.s32 $0xFFFFC000;
	s30 =	smov.u32 s29;
	s29 =	sadd.s32 $0x400, s29  }
0x7b: {  	_ = 	snop  }
0x7c: {  	_ =	swait.ge [sflag:s19], $0x4000  }
0x7d: {  	s30 =	sshra.s32 s30, $0x2;
	[sflag:s19] =	ssyncset.done $0x0  }
0x7e: {  	s31 =	sadd.s32 $0x80, s30;
	[sflag:s19] =	ssyncadd.s32 $0xFFFFC000  }
0x7f: {  	[tilespmem:s20], [sflag:$0x2] =	stream.indirect.gather [hbm4b:s4+s17], $0x80, s31, s17, $0xb8;
	[tilespmem:$0x1F800] =	vst v63  }
0x80: {  	s31 =	sadd.s32 $0x2800, s30  }
0x81: {  	[spmem:s2] =	stream.indirect.scatter.add.f32 [tilespmem:s18], [sflag:$0x3], $0x80, s31, s17, $0xb8;
	[tilespmem:$0x1F800] =	vst v63  }
0x82: {  	_ =	swait.ge [sflag:s14], $0x4000  }
0x83: {  	[sflag:s14] =	ssyncset.done $0x0  }
0x84: {  	[sflag:s14] =	ssyncadd.s32 $0xFFFFC000  }
0x85: {  	_ =	swait.ge [sflag:s21], $0x4000  }
0x86: {  	[sflag:s21] =	ssyncset.done $0x0  }
0x87: {  	s31 =	sadd.s32 $0x100, s30;
	[sflag:s21] =	ssyncadd.s32 $0xFFFFC000  }
0x88: {  	[tilespmem:s18], [sflag:$0x1] =	stream.indirect.gather [hbm4b:s4+s17], $0x80, s31, s17, $0xb8;
	[tilespmem:$0x1F800] =	vst v63  }
.Ltmp1:
0x89: {  	_ = 	snop;
	(pc) =	sbr.rel @p0 .LBB2_4-.Ltmp1, $4  }
0x8a: {  	s30 =	sadd.s32 $0x2880, s30  }
0x8b: {  	[spmem:s2] =	stream.indirect.scatter.add.f32 [tilespmem:s20], [sflag:$0x3], $0x80, s30, s17, $0xb8;
	[tilespmem:$0x1F800] =	vst v63  }
0x8c: {  	_ =	swait.ge [sflag:s14], $0x4000  }
0x8d: {  	[sflag:s14] =	ssyncset.done $0x0  }
0x8e: {  	[sflag:s14] =	ssyncadd.s32 $0xFFFFC000  }
0x8f: {  	_ =	swait.ge [sflag:s19], $0x4000  }
0x90: {  	[sflag:s19] =	ssyncset.done $0x0  }
0x91: {  	[sflag:s19] =	ssyncadd.s32 $0xFFFFC000  }
0x92: {  	[tilespmem:s20], [sflag:$0x2] =	stream.indirect.gather [hbm4b:s4+s17], $0x80, s22, s17, $0xb8;
	[tilespmem:$0x1F800] =	vst v63  }
0x93: {  	_ = 	snop  }
0x94: {  	[spmem:s2] =	stream.indirect.scatter.add.f32 [tilespmem:s18], [sflag:$0x3], $0x80, s25, s17, $0xb8;
	[tilespmem:$0x1F800] =	vst v63  }
0x95: {  	_ =	swait.ge [sflag:s14], $0x4000  }
0x96: {  	[sflag:s14] =	ssyncset.done $0x0  }
0x97: {  	[sflag:s14] =	ssyncadd.s32 $0xFFFFC000  }
0x98: {  	_ =	swait.ge [sflag:s21], $0x4000  }
0x99: {  	[sflag:s21] =	ssyncset.done $0x0  }
0x9a: {  	[sflag:s21] =	ssyncadd.s32 $0xFFFFC000  }
0x9b: {  	[tilespmem:s18], [sflag:$0x1] =	stream.indirect.gather [hbm4b:s4+s17], $0x80, s22, s17, $0xb8;
	[tilespmem:$0x1F800] =	vst v63  }
0x9c: {  	_ = 	snop  }
0x9d: {  	[spmem:s2] =	stream.indirect.scatter.add.f32 [tilespmem:s20], [sflag:$0x3], $0x80, s26, s17, $0xb8;
	[tilespmem:$0x1F800] =	vst v63  }
0x9e: {  	_ =	swait.ge [sflag:s14], $0x4000  }
0x9f: {  	[sflag:s14] =	ssyncset.done $0x0  }
0xa0: {  	[sflag:s14] =	ssyncadd.s32 $0xFFFFC000  }
0xa1: {  	_ =	swait.ge [sflag:s19], $0x4000  }
0xa2: {  	s28 =	sadd.s32 $0x1, s28;
	[sflag:s19] =	ssyncset.done $0x0  }
0xa3: {  	p0 =	sne.s32 s28, s12;
	[sflag:s19] =	ssyncadd.s32 $0xFFFFC000  }
.Ltmp2:
0xa4: {  	[bflag:$0x0] =	sbarrier.arrive $0xFFFF;
	(pc) =	sbr.rel @p0 .LBB2_1-.Ltmp2, $4  }
0xa5: {  	[hbm:s11], [sflag:s6] =	dma.local [spmem:s13], $0x2780  }
0xa6: {  	_ =	swait.ge [sflag:s14], $0x2780  }
0xa7: {  	[sflag:s14] =	ssyncset.done $0x0  }
0xa8: {  	[sflag:s14] =	ssyncadd.s32 $0xFFFFD880  }
0xa9: {  	_ =	sfence.sel $0x180000  }
0xaa: {  	[bflag:$0x0] =	sbarrier.arrive $0xFFFF  }
0xab: {  	p0 =	sne.s32 s1, $0x0;
	_ =	strace $0x9000004D  }
0xac: {  	s0 =	sadd.s32 @!p0 $0x100000, s0;
	[bflag:$0x2] =	sbarrier.arrive $0xFFFF  }
0xad: {  	[sflag:s0] =	ssyncadd.tile.s32 @!p0 $0x1;
	_ =	shalt  }
.Lfunc_end2:
_tile_overlayer_lowered:
.L_overlay_start_2:
0xae: {  	(tag) =	ssettag $0x2  }
0xaf: {  	s0 =	rddreg [dreg:$0x0];
	s2 =	stileid.u32  }
0xb0: {  	s1 =	rddreg [dreg:$0x1];
	p0 =	sne.s32 s2, $0x0  }
0xb1: {  	s3 =	rddreg [dreg:$0x2];
	[bflag:$0x3] =	sbarrier.arrive $0xFFFF;
	s2 =	simm.s32 @!p0 $0x1C03  }
0xb2: {  	[timem:s3], [sflag:s2] =	dma.local @!p0 [hbm:s0], s1  }
0xb3: {  	s0 =	simm.s32 @!p0 $0x3  }
0xb4: {  	_ =	swait.ge @!p0 [sflag:s0], s1  }
0xb5: {  	s1 =	ssub.s32 @!p0 $0x0, s1;
	[sflag:s0] =	ssyncset.done @!p0 $0x0  }
0xb6: {  	[sflag:s0] =	ssyncadd.s32 @!p0 s1  }
0xb7: {  	[bflag:$0x3] =	sbarrier.arrive $0xFFFF  }
0xb8: {  	_ =	shalt  }

// kernel: kernel.8.cloned.1.call-start
scs
__scs_entry_jumppad:
0x0: {  	(pc) =	sbr.rel $0x88, $3  }
0x1: {  	(tag) =	ssettag $0x0;
	lr =	simm.s32 $0x1  }
0x2: {  	[smem:$0x3F93] =	sst lr;
	_ =	strace $0xD0000000  }
0x3: {  	_ = 	snop  }
0x4: {  	_ = 	snop  }
0x5: {  	_ = 	snop  }
0x6: {  	_ = 	snop  }
0x7: {  	_ = 	snop  }
__scs_overlays_trampoline_lowered:
0x8: {  	[smem:$0x3FA2] =	sst s0  }
0x9: {  	[smem:$0x3FA3] =	sst s1  }
0xa: {  	[smem:$0x3FA4] =	sst s2  }
0xb: {  	[smem:$0x3FA5] =	sst s3  }
0xc: {  	[smem:$0x3FA6] =	sst s4  }
0xd: {  	[smem:$0x3FA7] =	sst s5  }
0xe: {  	[smem:$0x3FA8] =	sst s6  }
0xf: {  	[smem:$0x3FA9] =	sst s7  }
0x10: {  	[smem:$0x3FAA] =	sst s8  }
0x11: {  	[smem:$0x3FAB] =	sst s9;
	s0 =	simm.s32 @!p0 $0x0  }
0x12: {  	s1 =	sld [smem:$0x3F91];
	s0 =	simm.s32 @p0 $0x1  }
0x13: {  	[smem:$0x3FAC] =	sst s0;
	s0 =	simm.s32 @!p1 $0x0  }
0x14: {  	s2 =	sld [smem:$0x3F90];
	s0 =	simm.s32 @p1 $0x1  }
0x15: {  	[smem:$0x3FAD] =	sst s0;
	s0 =	simm.s32 @!p2 $0x0  }
0x16: {  	s3 =	sld [smem:$0x3FDB];
	s0 =	simm.s32 @p2 $0x1  }
0x17: {  	s4 =	simm.s32 $0x1BF5;
	[smem:$0x3FAF] =	sst s0  }
0x18: {  	s0 =	sld [smem:$0x3F92];
	_ =	swait.ge [sflag:s4], $0x0  }
0x19: {  	s7 =	sld [smem:$0x3F93]  }
0x1a: {  	s8 =	sadd.s32 $0xFFFFE003, lr  }
0x1b: {  	s9 =	sadd.s32 $0xFFFFFEF7, lr;
	s5 =	simm.s32 $0xFFFFFFFF;
	p2 =	slt.u32 s8, $0xFFFFF086  }
0x1c: {  	p1 =	slt.u32 s9, $0xF7A;
	s5 =	simm.s32 @!p2 $0x0  }
0x1d: {  	s5 =	simm.s32 @p1 $0x1;
	p0 =	seq.s32 s7, s2  }
0x1e: {  	s7 =	smul.u32 @!p0 $0xF7A, s2;
	p2 =	seq.s32 @!p0 s5, $0x0  }
0x1f: {  	s9 =	smul.u32 $0xF7A, s1;
	s8 =	simm.s32 @!p0 $0x1BF5;
	p2 =	por !p2, p0  }
0x20: {  	[sflag:s8] =	ssyncset.s32 @!p0 $0xFFFFF086;
	s6 =	sadd.s32 @!p0 s3, s7;
	s7 =	simm.s32 @!p0 $0x108  }
0x21: {  	s3 =	sadd.s32 s3, s9;
	s6 =	sadd.s32 @!p0 $0x88, s6;
	s7 =	simm.s32 @p2 $0x1082  }
0x22: {  	[simem:s7], [sflag:s8] =	dma.local @!p0 [hbm:s6], $0xF7A  }
0x23: {  	s9 =	sor.u32 $0xD0000000, s2;
	s6 =	simm.s32 $0x108;
	_ =	swait.ge @!p0 [sflag:s8], $0x0  }
0x24: {  	s3 =	sadd.s32 $0x88, s3;
	s6 =	simm.s32 @!p1 $0x1082;
	[sflag:s4] =	ssyncset.s32 $0xFFFFF086  }
0x25: {  	[simem:s6], [sflag:s4] =	dma.local [hbm:s3], $0xF7A  }
0x26: {  	[smem:$0x3F93] =	sst s1;
	(tag) =	ssettag s2;
	_ =	strace s9  }
0x27: {  	s1 =	sld [smem:$0x3FA3]  }
0x28: {  	s2 =	sld [smem:$0x3FA4]  }
0x29: {  	s4 =	sld [smem:$0x3FA6]  }
0x2a: {  	p0 =	seq.s32 s5, $0x0;
	s5 =	sld [smem:$0x3FA7]  }
0x2b: {  	s6 =	sld [smem:$0x3FA8]  }
0x2c: {  	s7 =	sld [smem:$0x3FA9]  }
0x2d: {  	s3 =	simm.s32 $0x108;
	s8 =	sld [smem:$0x3FAA]  }
0x2e: {  	s3 =	simm.s32 @!p0 $0x1082;
	s9 =	sld [smem:$0x3FAB]  }
0x2f: {  	lr =	sadd.s32 s0, s3;
	s0 =	sld [smem:$0x3FA2]  }
0x30: {  	s3 =	sld [smem:$0x3FA5]  }
0x31: {  	[smem:$0x3FAE] =	sst s10  }
0x32: {  	s10 =	sld [smem:$0x3FAC];
	_ =	sdelay $0x3  }
0x33: {  	p0 =	seq.s32 s10, $0x1;
	s10 =	sld [smem:$0x3FAE];
	_ =	sdelay $0x3  }
0x34: {  	[smem:$0x3FAE] =	sst s10  }
0x35: {  	s10 =	sld [smem:$0x3FAD];
	_ =	sdelay $0x3  }
0x36: {  	p1 =	seq.s32 s10, $0x1;
	s10 =	sld [smem:$0x3FAE];
	_ =	sdelay $0x3  }
0x37: {  	[smem:$0x3FAE] =	sst s10  }
0x38: {  	s10 =	sld [smem:$0x3FAF]  }
0x39: {  	_ = 	snop;
	(pc) =	sbr.ind lr, $3  }
0x3a: {  	_ = 	snop  }
0x3b: {  	_ = 	snop  }
0x3c: {  	p2 =	seq.s32 s10, $0x1;
	s10 =	sld [smem:$0x3FAE]  }
0x3d: {  	_ =	shalt  }
0x3e: {  	_ =	shalt  }
0x3f: {  	_ =	shalt  }
0x40: {  	_ =	shalt  }
0x41: {  	_ =	shalt  }
0x42: {  	_ =	shalt  }
0x43: {  	_ =	shalt  }
0x44: {  	_ =	shalt  }
0x45: {  	_ =	shalt  }
0x46: {  	_ =	shalt  }
0x47: {  	_ =	shalt  }
0x48: {  	_ =	shalt  }
0x49: {  	_ =	shalt  }
0x4a: {  	_ =	shalt  }
0x4b: {  	_ =	shalt  }
0x4c: {  	_ =	shalt  }
0x4d: {  	_ =	shalt  }
0x4e: {  	_ =	shalt  }
0x4f: {  	_ =	shalt  }
0x50: {  	_ =	shalt  }
0x51: {  	_ =	shalt  }
0x52: {  	_ =	shalt  }
0x53: {  	_ =	shalt  }
0x54: {  	_ =	shalt  }
0x55: {  	_ =	shalt  }
0x56: {  	_ =	shalt  }
0x57: {  	_ =	shalt  }
0x58: {  	_ =	shalt  }
0x59: {  	_ =	shalt  }
0x5a: {  	_ =	shalt  }
0x5b: {  	_ =	shalt  }
0x5c: {  	_ =	shalt  }
0x5d: {  	_ =	shalt  }
0x5e: {  	_ =	shalt  }
0x5f: {  	_ =	shalt  }
0x60: {  	_ =	shalt  }
0x61: {  	_ =	shalt  }
0x62: {  	_ =	shalt  }
0x63: {  	_ =	shalt  }
0x64: {  	_ =	shalt  }
0x65: {  	_ =	shalt  }
0x66: {  	_ =	shalt  }
0x67: {  	_ =	shalt  }
0x68: {  	_ =	shalt  }
0x69: {  	_ =	shalt  }
0x6a: {  	_ =	shalt  }
0x6b: {  	_ =	shalt  }
0x6c: {  	_ =	shalt  }
0x6d: {  	_ =	shalt  }
0x6e: {  	_ =	shalt  }
0x6f: {  	_ =	shalt  }
0x70: {  	_ =	shalt  }
0x71: {  	_ =	shalt  }
0x72: {  	_ =	shalt  }
0x73: {  	_ =	shalt  }
0x74: {  	_ =	shalt  }
0x75: {  	_ =	shalt  }
0x76: {  	_ =	shalt  }
0x77: {  	_ =	shalt  }
0x78: {  	_ =	shalt  }
0x79: {  	_ =	shalt  }
0x7a: {  	_ =	shalt  }
0x7b: {  	_ =	shalt  }
0x7c: {  	_ =	shalt  }
0x7d: {  	_ =	shalt  }
0x7e: {  	_ =	shalt  }
0x7f: {  	_ =	shalt  }
0x80: {  	_ =	shalt  }
0x81: {  	_ =	shalt  }
0x82: {  	_ =	shalt  }
0x83: {  	_ =	shalt  }
0x84: {  	_ =	shalt  }
0x85: {  	_ =	shalt  }
0x86: {  	_ =	shalt  }
0x87: {  	_ =	shalt  }
.Lfunc_end0:
.L_simem_size_0:
called_computation_lowered:
.L_overlay_start_0:
0x88: {  	s2 =	sld [smem:$0x3FD9]  }
0x89: {  	s3 =	sld [smem:$0x3FFE];
	_ =	sdelay $0x1  }
0x8a: {  	s1 =	srdreg.scid  }
0x8b: {  	s0 =	sand.u32 $0x1, s1  }
0x8c: {  	s16 =	sshll.u32 s0, $0xA;
	s2 =	sadd.s32 s3, s2  }
0x8d: {  	s2 =	sadd.s32 s2, s16  }
0x8e: {  	[smem:$0x3FBA] =	sst s2  }
0x8f: {  	_ = 	snop  }
0x90: {  	(tm) =	ssettm $0x1  }
0x91: {  	s17 =	sld [smem:$0x3FFB];
	_ =	sdelay $0x3  }
0x92: {  	_ =	strace s17  }
0x93: {  	s2 =	sld [smem:$0x3FFC];
	_ =	sdelay $0x3  }
0x94: {  	_ =	strace s2  }
0x95: {  	s2 =	sld [smem:$0x3FFD];
	_ =	sdelay $0x3  }
0x96: {  	_ =	strace s2  }
0x97: {  	_ =	strace $0x8FFFFFFF  }
0x98: {  	s18 =	sld [smem:$0x3FDB];
	_ =	sdelay $0x1  }
0x99: {  	s19 =	simm.s32 $_scs_section_size  }
0x9a: {  	s4 =	simm.s32 $_size__tile_overlayer_lowered;
	s5 =	simm.s32 $_tile_overlayer_lowered  }
0x9b: {  	s22 =	simm.s32 $0x1BFF;
	s21 =	sshll.u32 s5, $0x1;
	s2 =	sadd.s32 s19, s18  }
0x9c: {  	s6 =	simm.s32 $0x0;
	s20 =	sshll.u32 s4, $0x1;
	s4 =	sadd.s32 s21, s2  }
0x9d: {  	[timem:s6], [sflag:s22] =	dma.local [hbm:s4], s20  }
0x9e: {  	_ =	swait.ge [sflag:s22], s20  }
0x9f: {  	s3 =	ssub.s32 $0x0, s20;
	[sflag:s22] =	ssyncset.done $0x0  }
0xa0: {  	[sflag:s22] =	ssyncadd.s32 s3;
	_ =	sdelay $0x1  }
0xa1: {  	s23 =	simm.s32 $0x1B8B  }
0xa2: {  	_ =	swait.ge [sflag:s23], $0x1  }
0xa3: {  	[sflag:s23] =	ssyncset.done $0x0  }
0xa4: {  	s25 =	simm.s32 $0x1B8E;
	s24 =	sld [smem:$0x3FFE];
	[sflag:s23] =	ssyncadd.s32 $0xFFFFFFFF  }
0xa5: {  	s26 =	simm.s32 $execute0_lowered;
	[smem:$0x3FD2] =	sst s25  }
0xa6: {  	s4 =	sshll.u32 s26, $0x1;
	_ =	strace $0x80000046;
	[dreg:$0x1] =	wrdreg $0xFFFFFFFF  }
0xa7: {  	s28 =	simm.s32 $_size_execute0_lowered;
	s2 =	sadd.s32 s2, s4;
	[dreg:$0x0] =	wrdreg $0x0  }
0xa8: {  	s4 =	sshll.u32 s28, $0x1;
	[dreg:$0x2] =	wrdreg s2  }
0xa9: {  	[dreg:$0x3] =	wrdreg s4  }
0xaa: {  	[dreg:$0x4] =	wrdreg $0xC0  }
0xab: {  	_ =	task [dreg:s6], $0x5FFFF  }
0xac: {  	[dreg:$0x1] =	wrdreg $0xFFFFFFFF  }
0xad: {  	[dreg:$0x0] =	wrdreg $0x60  }
0xae: {  	[dreg:$0x2] =	wrdreg s24  }
0xaf: {  	[dreg:$0x3] =	wrdreg $0x68000  }
0xb0: {  	[dreg:$0x4] =	wrdreg $0x9  }
0xb1: {  	_ =	task.clear_ibuf [dreg:s6], $0x5FFFF;
	_ =	strace $0x90000046  }
0xb2: {  	s29 =	simm.s32 $0x9;
	_ =	strace $0x80000048  }
0xb3: {  	_ =	swait.ge [sflag:s29], $0x1  }
0xb4: {  	[sflag:s29] =	ssyncadd.s32 $0xFFFFFFFF  }
0xb5: {  	_ =	strace $0x90000048  }
0xb6: {  	_ =	sfence  }
0xb7: {  	s30 =	sld [smem:$0x0];
	_ =	sdelay $0x2  }
0xb8: {  	s31 =	sshll.u32 s1, $0xD;
	s1 =	sshrl.u32 s1, $0x2  }
0xb9: {  	s3 =	sand.u32 $0x4000, s31;
	s1 =	sadd.s32 s1, s30  }
0xba: {  	s0 =	sor.u32 s3, s0;
	s1 =	sshll.u32 s1, $0x11  }
0xbb: {  	s0 =	sor.u32 s1, s0  }
0xbc: {  	s0 =	sadd.s32 $0x8F2B, s0  }
0xbd: {  	[sflag:s0] =	ssyncadd.remote.s32 $0x1  }
0xbe: {  	_ =	sfence.sel $0xFFFF  }
0xbf: {  	[dreg:$0x0] =	wrdreg $0xFFFFFFFF;
	(pc) =	sbr.abs _section_cstart, $3  }
0xc0: {  	[dreg:$0x1] =	wrdreg $0xFFFFFFFF  }
0xc1: {  	_ =	task.clear_ibuf [dreg:s6], $0x2FFFF;
	_ =	strace $0x9FFFFFFF  }
0xc2: {  	(tm) =	ssettm $0x7FFFFFFF  }
0xc3: {  	_ =	shalt  }
tec
execute0_lowered:
.L_overlay_start_1:
0x0: {  	(tag) =	ssettag $0x1  }
0x1: {  	s1 =	srdreg.scid;
	s6 =	rddreg [dreg:$0x0]  }
0x2: {  	s0 =	stileid.u32;
	s2 =	rddreg [dreg:$0x1];
	s3 =	simm.s32 $0x0  }
0x3: {  	s14 =	simm.s32 $0x1400;
	s15 =	simm.s32 $0x80;
	s16 =	simm.s32 $0x0  }
0x4: {  	s5 =	sand.u32 $0x1, s1;
	s26 =	sshll.u32 s0, $0x1;
	s7 =	smul.u32 $0x13C00, s0  }
0x5: {  	[smem:$0x7FF] =	sst s3;
	s28 =	smul.u32 $0x4F000, s0;
	s31 =	sshll.u32 s0, $0x6  }
0x6: {  	s1 =	sor.u32 s5, s26;
	s8 =	smul.u32 $0x13C000, s5;
	s5 =	ssub.s32 $0x2, s5  }
0x7: {  	s4 =	smul.u32 $0x1400, s1;
	s1 =	rddreg [dreg:$0x2];
	_ =	strace $0x80000047  }
0x8: {  	s10 =	sshrl.u32 s7, $0x3;
	s29 =	sshrl.u32 s5, $0x1;
	s30 =	sshrl.u32 s28, $0x2  }
0x9: {  	s7 =	sadd.s32 s7, s8;
	s10 =	sadd.s32 s10, s6;
	s12 =	ssub.s32 s5, s29  }
0xa: {  	s13 =	sadd.s32 s30, s2;
	s4 =	sshrl.u32 s4, $0x3;
	s7 =	sshrl.u32 s7, $0x3  }
0xb: {  	s5 =	sadd.s32 $0xD600, s10;
	s10 =	smax.u32 s12, $0x1;
	s12 =	simm.s32 $0x1  }
0xc: {  	s9 =	sadd.s32 s4, s6;
	s4 =	sadd.s32 $0x34E00, s6;
	s11 =	sadd.s32 s7, s6  }
0xd: {  	s6 =	sor.u32 $0x1C01, s31;
	s7 =	sadd.s32 $0x3600, s9;
	s8 =	sadd.s32 $0x8600, s9  }
0xe: {  	s9 =	sadd.s32 $0x35600, s11;
	s11 =	sshrl.u32 s13, $0x3;
	s13 =	simm.s32 $0x2800  }
.LBB2_1:
0xf: {  	[spmem:s11], [sflag:s6] =	dma.local [hbm:s5], $0x2780  }
0x10: {  	_ =	swait.ge [sflag:s12], $0x2780  }
0x11: {  	[sflag:s12] =	ssyncset.done $0x0  }
0x12: {  	[sflag:s12] =	ssyncadd.s32 $0xFFFFD880  }
0x13: {  	[tilespmem:s13], [sflag:$0x1] =	stream.linear.gather [hbm4b:s4+s3], $0x4000, $0x38;
	[tilespmem:$0x1A400] =	vst v63  }
0x14: {  	_ =	swait.ge [sflag:s12], $0x4000  }
0x15: {  	[sflag:s12] =	ssyncset.done $0x0  }
0x16: {  	[sflag:s12] =	ssyncadd.s32 $0xFFFFC000  }
0x17: {  	[tilespmem:s3], [sflag:$0x1] =	stream.linear.gather [hbm4b:s7+s3], $0x1400, $0x38;
	[tilespmem:$0x1A400] =	vst v63  }
0x18: {  	_ =	swait.ge [sflag:s12], $0x1400  }
0x19: {  	[sflag:s12] =	ssyncset.done $0x0  }
0x1a: {  	[sflag:s12] =	ssyncadd.s32 $0xFFFFEC00  }
0x1b: {  	[tilespmem:s14], [sflag:$0x1] =	stream.linear.gather [hbm4b:s8+s3], $0x1400, $0x38;
	[tilespmem:$0x1A400] =	vst v63  }
0x1c: {  	_ =	swait.ge [sflag:s12], $0x1400  }
0x1d: {  	[sflag:s12] =	ssyncset.done $0x0  }
0x1e: {  	[sflag:s12] =	ssyncadd.s32 $0xFFFFEC00  }
0x1f: {  	s17 =	simm.s32 $0x0;
	[bflag:$0x0] =	sbarrier.arrive $0xFFFF  }
.LBB2_2:
0x20: {  	p0 =	sne.s32 s17, $0x4E00  }
.Ltmp0:
0x21: {  	s18 =	sshra.s32 s17, $0x2;
	(pc) =	sbr.rel @p0 .LBB2_2-.Ltmp0, $4  }
0x22: {  	[spmem:s2] =	stream.indirect.scatter.add.f32 [tilespmem:s13], [sflag:$0x1], $0x80, s18, s15, $0xb8;
	[tilespmem:$0x1A400] =	vst v63  }
0x23: {  	_ =	swait.ge [sflag:s12], $0x4000  }
0x24: {  	[sflag:s12] =	ssyncset.done $0x0  }
0x25: {  	s17 =	sadd.s32 $0x200, s17;
	[sflag:s12] =	ssyncadd.s32 $0xFFFFC000  }
0x26: {  	s17 =	simm.s32 $0x1400  }
0x27: {  	[spmem:s2] =	stream.indirect.scatter.add.f32 [tilespmem:s13], [sflag:$0x1], $0x80, s17, s15, $0xb8;
	[tilespmem:$0x1A400] =	vst v63  }
0x28: {  	s17 =	simm.s32 $0x200;
	_ =	swait.ge [sflag:s12], $0x4000  }
.LBB2_4:
0x29: {  	s18 =	sshra.s32 s17, $0x2;
	[sflag:s12] =	ssyncset.done $0x0;
	p0 =	sne.s32 s17, $0x4E00  }
.Ltmp1:
0x2a: {  	s18 =	sadd.s32 $0x1400, s18;
	[sflag:s12] =	ssyncadd.s32 $0xFFFFC000;
	(pc) =	sbr.rel @p0 .LBB2_4-.Ltmp1, $3  }
0x2b: {  	[spmem:s2] =	stream.indirect.scatter.add.f32 [tilespmem:s13], [sflag:$0x1], $0x80, s18, s15, $0xb8;
	[tilespmem:$0x1A400] =	vst v63  }
0x2c: {  	s17 =	sadd.s32 $0x200, s17;
	_ =	sdelay $0x1  }
0x2d: {  	_ =	swait.ge [sflag:s12], $0x4000  }
0x2e: {  	[sflag:s12] =	ssyncset.done $0x0;
	s16 =	sadd.s32 $0x1, s16  }
0x2f: {  	[sflag:s12] =	ssyncadd.s32 $0xFFFFC000;
	p0 =	sne.s32 s16, s10  }
.Ltmp2:
0x30: {  	[bflag:$0x0] =	sbarrier.arrive $0xFFFF;
	(pc) =	sbr.rel @p0 .LBB2_1-.Ltmp2, $4  }
0x31: {  	[hbm:s9], [sflag:s6] =	dma.local [spmem:s11], $0x2780  }
0x32: {  	_ =	swait.ge [sflag:s12], $0x2780  }
0x33: {  	[sflag:s12] =	ssyncset.done $0x0  }
0x34: {  	[sflag:s12] =	ssyncadd.s32 $0xFFFFD880  }
0x35: {  	_ =	sfence.sel $0x180000  }
0x36: {  	[bflag:$0x0] =	sbarrier.arrive $0xFFFF  }
0x37: {  	p0 =	sne.s32 s0, $0x0;
	_ =	strace $0x90000047  }
0x38: {  	s0 =	sadd.s32 @!p0 $0x100000, s1;
	[bflag:$0x2] =	sbarrier.arrive $0xFFFF  }
0x39: {  	[sflag:s0] =	ssyncadd.tile.s32 @!p0 $0x1;
	_ =	shalt  }
.Lfunc_end2:
_tile_overlayer_lowered:
.L_overlay_start_2:
0x3a: {  	(tag) =	ssettag $0x2  }
0x3b: {  	s0 =	rddreg [dreg:$0x0];
	s2 =	stileid.u32  }
0x3c: {  	s1 =	rddreg [dreg:$0x1];
	p0 =	sne.s32 s2, $0x0  }
0x3d: {  	s3 =	rddreg [dreg:$0x2];
	[bflag:$0x3] =	sbarrier.arrive $0xFFFF;
	s2 =	simm.s32 @!p0 $0x1C01  }
0x3e: {  	[timem:s3], [sflag:s2] =	dma.local @!p0 [hbm:s0], s1  }
0x3f: {  	s0 =	simm.s32 @!p0 $0x1  }
0x40: {  	_ =	swait.ge @!p0 [sflag:s0], s1  }
0x41: {  	s1 =	ssub.s32 @!p0 $0x0, s1;
	[sflag:s0] =	ssyncset.done @!p0 $0x0  }
0x42: {  	[sflag:s0] =	ssyncadd.s32 @!p0 s1  }
0x43: {  	[bflag:$0x3] =	sbarrier.arrive $0xFFFF  }
0x44: {  	_ =	shalt  }

</sc_bundles>
